<compile_context>
chip_gen: v7x
topology: tpu7x:2x2x1
jax: 0.10.2.dev20260603
libtpu: 0.0.44.dev20260713+nightly
codegen_flags: <defaults>
</compile_context>

<pallas_src>
import functools

import jax
import jax.numpy as jnp
from jax import lax
from jax.experimental import pallas as pl
from jax.experimental.pallas import tpu as pltpu
from jax.experimental.pallas import tpu_sc as plsc

NC = 2
NS = 16
NW = NC * NS
LANES = 16
BBLK = 128
BPAD = 133
NBUF = 2
DBL = 2


def _make_kernel(batch, seq_len, embed_dim):
  d_regs = embed_dim // LANES
  d_hi = embed_dim // 8
  b_hi = batch // BBLK
  mesh = plsc.VectorSubcoreMesh(core_axis_name="c", subcore_axis_name="s")

  scratch = [
      pltpu.VMEM((seq_len // DBL, DBL * BBLK), jnp.int32),
      pltpu.VMEM((seq_len, embed_dim), jnp.float32),
  ]
  scratch += [pltpu.VMEM((DBL * BBLK, embed_dim), jnp.float32)
              for _ in range(NBUF)]
  scratch += [pltpu.VMEM((DBL, d_hi, 8, BPAD), jnp.float32)
              for _ in range(NBUF)]
  scratch += [pltpu.SemaphoreType.DMA for _ in range(2 * NBUF)]

  @functools.partial(
      pl.kernel,
      mesh=mesh,
      out_type=jax.ShapeDtypeStruct((seq_len, d_hi, b_hi, 8, BBLK),
                                    jnp.float32),
      scratch_types=scratch,
      compiler_params=pltpu.CompilerParams(
          needs_layout_passes=False, use_tc_tiling_on_sc=False),
  )
  def emb_kernel(table_hbm, ids_hbm, pos_hbm, out_hbm, *rest):
    idx_v = rest[0]
    pos_v = rest[1]
    rows_g = rest[2:2 + NBUF]
    trans = rest[2 + NBUF:2 + 2 * NBUF]
    gsem = rest[2 + 2 * NBUF:2 + 3 * NBUF]
    ssem = rest[2 + 3 * NBUF:2 + 4 * NBUF]

    wid = lax.axis_index("s") * NC + lax.axis_index("c")

    pltpu.sync_copy(ids_hbm.at[wid], idx_v)
    pltpu.sync_copy(pos_hbm, pos_v)

    dvec = [lax.iota(jnp.int32, LANES) + dseg * LANES for dseg in range(d_regs)]
    dhi_c = [jnp.right_shift(v, 3) for v in dvec]
    dlo_c = [jnp.bitwise_and(v, 7) for v in dvec]

    n_iter = seq_len // DBL

    for b in range(NBUF):
      pltpu.async_copy(table_hbm.at[idx_v.at[b]], rows_g[b], gsem[b])

    def outer(i, _):
      for b in range(NBUF):
        j = i * NBUF + b
        pltpu.make_async_copy(
            table_hbm.at[idx_v.at[j]], rows_g[b], gsem[b]).wait()

        @pl.when(j >= NBUF)
        def _wait_store():
          pltpu.make_async_copy(
              trans[b].at[:, :, :, pl.ds(0, BBLK)],
              out_hbm.at[pl.ds((j - NBUF) * DBL, DBL), :, wid],
              ssem[b]).wait()

        pv = [[pos_v[j * DBL + h, pl.ds(dseg * LANES, LANES)]
               for dseg in range(d_regs)] for h in range(DBL)]

        @plsc.parallel_loop(0, DBL * BBLK, unroll=4)
        def row_body(r):
          h = jnp.right_shift(r, 7)
          rr = jnp.bitwise_and(r, BBLK - 1)
          hv = jnp.full((LANES,), h, jnp.int32)
          blo = jnp.full((LANES,), rr, jnp.int32)
          for dseg in range(d_regs):
            pc = jnp.where(h == 0, pv[0][dseg], pv[1][dseg])
            x = rows_g[b][r, pl.ds(dseg * LANES, LANES)] + pc
            plsc.store_scatter(
                trans[b], [hv, dhi_c[dseg], dlo_c[dseg], blo], x)

        pltpu.async_copy(
            trans[b].at[:, :, :, pl.ds(0, BBLK)],
            out_hbm.at[pl.ds(j * DBL, DBL), :, wid], ssem[b])

        @pl.when(j + NBUF < n_iter)
        def _next_gather():
          pltpu.async_copy(
              table_hbm.at[idx_v.at[j + NBUF]], rows_g[b], gsem[b])

      return _

    lax.fori_loop(0, n_iter // NBUF, outer, None)

    for b in range(NBUF):
      j = n_iter - NBUF + b
      pltpu.make_async_copy(
          trans[b].at[:, :, :, pl.ds(0, BBLK)],
          out_hbm.at[pl.ds(j * DBL, DBL), :, wid], ssem[b]).wait()

  return emb_kernel


def kernel(input_ids, token_table, pos_table):
  batch, seq_len = input_ids.shape
  vocab, embed_dim = token_table.shape
  assert batch % (NW * BBLK) == 0 or batch == NW * BBLK
  assert embed_dim % LANES == 0 and seq_len % NBUF == 0

  ids = input_ids.astype(jnp.int32).reshape(NW, BBLK, seq_len)
  ids = ids.transpose(0, 2, 1).reshape(NW, seq_len // DBL, DBL * BBLK)

  fn = _make_kernel(batch, seq_len, embed_dim)
  out5 = fn(token_table, ids, pos_table)
  out = out5.transpose(2, 4, 0, 1, 3).reshape(batch, seq_len, embed_dim)
  return out

# --- scband reference (transcript-rebuilt; emitter-appended) ---
"""Pipeline reference for scband-simple-embedding-88708254531870 (READ-ONLY COPY).

The authoritative reference and input builder live on the scoring server;
editing this copy changes nothing except your own understanding.
"""

import jax, jax.numpy as jnp
import numpy as np

VOCAB_SIZE = 1000000
EMBED_DIM = 64
MAX_LENGTH = 200
BATCH = 4096
SEQ_LEN = 200

def setup_inputs(seed: int = 0) -> dict:
    key = jax.random.key(seed)
    k1, k2, k3 = jax.random.split(key, 3)
    input_ids = jax.random.randint(k1, (BATCH, SEQ_LEN), 0, VOCAB_SIZE, dtype=jnp.int64 if jax.config.jax_enable_x64 else jnp.int32)
    token_table = jax.random.normal(k2, (VOCAB_SIZE, EMBED_DIM), dtype=jnp.float32) * 0.02
    pos_table = jax.random.normal(k3, (MAX_LENGTH, EMBED_DIM), dtype=jnp.float32) * 0.02
    return {"input_ids": input_ids, "token_table": token_table, "pos_table": pos_table}

def reference(input_ids, token_table, pos_table):
    # token embedding lookup: gather rows from the token table
    tok_emb = jnp.take(token_table, input_ids, axis=0)  # [B, S, D]
    # position embedding: positions = arange(seq_len), broadcast over batch
    positions = jnp.arange(input_ids.shape[1])
    pos_emb = jnp.take(pos_table, positions, axis=0)[None, :, :]  # [1, S, D]
    return tok_emb + pos_emb

if __name__ == "__main__":
    import jax
    _d = setup_inputs()
    print(jax.jit(kernel)(*tuple(_d.values())))

</pallas_src>

<mosaic_0001>
#map = affine_map<(d0, d1) -> (0, 0)>
#map1 = affine_map<(d0, d1) -> (0, 0, 0)>
#map2 = affine_map<(d0, d1) -> (0, 0, 0, 0, 0)>
module attributes {stable_mosaic.version = 14 : i64} {
  func.func @emb_kernel(%arg0: i32, %arg1: i32, %arg2: memref<1000000x64xf32, #tpu.memory_space<hbm>>, %arg3: memref<32x100x256xi32, #tpu.memory_space<hbm>>, %arg4: memref<200x64xf32, #tpu.memory_space<hbm>>, %arg5: memref<200x8x32x8x128xf32, #tpu.memory_space<hbm>>, %arg6: memref<100x256xi32, #tpu.memory_space<vmem>>, %arg7: memref<200x64xf32, #tpu.memory_space<vmem>>, %arg8: memref<256x64xf32, #tpu.memory_space<vmem>>, %arg9: memref<256x64xf32, #tpu.memory_space<vmem>>, %arg10: memref<2x8x8x133xf32, #tpu.memory_space<vmem>>, %arg11: memref<2x8x8x133xf32, #tpu.memory_space<vmem>>, %arg12: memref<!tpu.dma_semaphore, #tpu.memory_space<semaphore_mem>>, %arg13: memref<!tpu.dma_semaphore, #tpu.memory_space<semaphore_mem>>, %arg14: memref<!tpu.dma_semaphore, #tpu.memory_space<semaphore_mem>>, %arg15: memref<!tpu.dma_semaphore, #tpu.memory_space<semaphore_mem>>) attributes {dimension_semantics = [#tpu.dimension_semantics<core_parallel>, #tpu.dimension_semantics<subcore_parallel>], iteration_bounds = array<i64: 2, 16>, scalar_prefetch = 0 : i64, scratch_operands = 10 : i64, tpu.core_type = #tpu.core_type<sc_vector_subcore>, window_params = [{transform_indices = #map}, {transform_indices = #map1}, {transform_indices = #map}, {transform_indices = #map2}]} {
    %mul3A = arith.constant 2 : i32
    %mul3A_0 = arith.muli %arg1, %mul3A : i32
    %add3A = arith.addi %mul3A_0, %arg0 : i32
    "tpu.region"() ({
      %run_scoped3A = tpu.sem_alloc : memref<!tpu.dma_semaphore, #tpu.memory_space<semaphore_mem>>
      %dma_start3A_98 = arith.constant 0 : i32
      %dma_start3A_99 = arith.constant 0 : i32
      %dma_start3A_100 = tpu.memref_slice %arg3[%add3A, %dma_start3A_98, %dma_start3A_99] : memref<32x100x256xi32, #tpu.memory_space<hbm>> -> memref<1x100x256xi32, #tpu.memory_space<hbm>>
      %dma_start3A_101 = tpu.memref_squeeze %dma_start3A_100 : memref<1x100x256xi32, #tpu.memory_space<hbm>> -> memref<100x256xi32, #tpu.memory_space<hbm>>
      %dma_start3A_102 = arith.constant 0 : i32
      %dma_start3A_103 = arith.constant 0 : i32
      %dma_start3A_104 = tpu.memref_slice %arg3[%add3A, %dma_start3A_102, %dma_start3A_103] : memref<32x100x256xi32, #tpu.memory_space<hbm>> -> memref<1x100x256xi32, #tpu.memory_space<hbm>>
      %dma_start3A_105 = tpu.memref_squeeze %dma_start3A_104 : memref<1x100x256xi32, #tpu.memory_space<hbm>> -> memref<100x256xi32, #tpu.memory_space<hbm>>
      tpu.enqueue_dma source(%dma_start3A_105 : memref<100x256xi32, #tpu.memory_space<hbm>>) target(%arg6 : memref<100x256xi32, #tpu.memory_space<vmem>>) target_semaphore(%run_scoped3A : memref<!tpu.dma_semaphore, #tpu.memory_space<semaphore_mem>>)
      %dma_wait3A_106 = arith.constant 0 : i32
      %dma_wait3A_107 = arith.constant 0 : i32
      %dma_wait3A_108 = tpu.memref_slice %arg3[%add3A, %dma_wait3A_106, %dma_wait3A_107] : memref<32x100x256xi32, #tpu.memory_space<hbm>> -> memref<1x100x256xi32, #tpu.memory_space<hbm>>
      %dma_wait3A_109 = tpu.memref_squeeze %dma_wait3A_108 : memref<1x100x256xi32, #tpu.memory_space<hbm>> -> memref<100x256xi32, #tpu.memory_space<hbm>>
      %dma_wait3A_110 = arith.constant 0 : i32
      %dma_wait3A_111 = arith.constant 0 : i32
      %dma_wait3A_112 = tpu.memref_slice %arg3[%add3A, %dma_wait3A_110, %dma_wait3A_111] : memref<32x100x256xi32, #tpu.memory_space<hbm>> -> memref<1x100x256xi32, #tpu.memory_space<hbm>>
      %dma_wait3A_113 = tpu.memref_squeeze %dma_wait3A_112 : memref<1x100x256xi32, #tpu.memory_space<hbm>> -> memref<100x256xi32, #tpu.memory_space<hbm>>
      tpu.wait_dma2 semaphore(%run_scoped3A : memref<!tpu.dma_semaphore, #tpu.memory_space<semaphore_mem>>) src(%dma_wait3A_113 : memref<100x256xi32, #tpu.memory_space<hbm>>) dst(%arg6 : memref<100x256xi32, #tpu.memory_space<vmem>>)
      tpu.yield
    }) : () -> ()
    "tpu.region"() ({
      %run_scoped3A = tpu.sem_alloc : memref<!tpu.dma_semaphore, #tpu.memory_space<semaphore_mem>>
      tpu.enqueue_dma source(%arg4 : memref<200x64xf32, #tpu.memory_space<hbm>>) target(%arg7 : memref<200x64xf32, #tpu.memory_space<vmem>>) target_semaphore(%run_scoped3A : memref<!tpu.dma_semaphore, #tpu.memory_space<semaphore_mem>>)
      tpu.wait_dma2 semaphore(%run_scoped3A : memref<!tpu.dma_semaphore, #tpu.memory_space<semaphore_mem>>) src(%arg4 : memref<200x64xf32, #tpu.memory_space<hbm>>) dst(%arg7 : memref<200x64xf32, #tpu.memory_space<vmem>>)
      tpu.yield
    }) : () -> ()
    %iota3A = tpu.iota {dimensions = array<i32: 0>} : vector<16xi32>
    %add3A_1 = arith.constant 0 : i32
    %add3A_2 = vector.broadcast %add3A_1 : i32 to vector<16xi32>
    %add3A_3 = arith.addi %iota3A, %add3A_2 : vector<16xi32>
    %iota3A_4 = tpu.iota {dimensions = array<i32: 0>} : vector<16xi32>
    %add3A_5 = arith.constant 16 : i32
    %add3A_6 = vector.broadcast %add3A_5 : i32 to vector<16xi32>
    %add3A_7 = arith.addi %iota3A_4, %add3A_6 : vector<16xi32>
    %iota3A_8 = tpu.iota {dimensions = array<i32: 0>} : vector<16xi32>
    %add3A_9 = arith.constant 32 : i32
    %add3A_10 = vector.broadcast %add3A_9 : i32 to vector<16xi32>
    %add3A_11 = arith.addi %iota3A_8, %add3A_10 : vector<16xi32>
    %iota3A_12 = tpu.iota {dimensions = array<i32: 0>} : vector<16xi32>
    %add3A_13 = arith.constant 48 : i32
    %add3A_14 = vector.broadcast %add3A_13 : i32 to vector<16xi32>
    %add3A_15 = arith.addi %iota3A_12, %add3A_14 : vector<16xi32>
    %shift_right_arithmetic3A = arith.constant 3 : i32
    %shift_right_arithmetic3A_16 = vector.broadcast %shift_right_arithmetic3A : i32 to vector<16xi32>
    %shift_right_arithmetic3A_17 = arith.shrsi %add3A_3, %shift_right_arithmetic3A_16 : vector<16xi32>
    %shift_right_arithmetic3A_18 = arith.constant 3 : i32
    %shift_right_arithmetic3A_19 = vector.broadcast %shift_right_arithmetic3A_18 : i32 to vector<16xi32>
    %shift_right_arithmetic3A_20 = arith.shrsi %add3A_7, %shift_right_arithmetic3A_19 : vector<16xi32>
    %shift_right_arithmetic3A_21 = arith.constant 3 : i32
    %shift_right_arithmetic3A_22 = vector.broadcast %shift_right_arithmetic3A_21 : i32 to vector<16xi32>
    %shift_right_arithmetic3A_23 = arith.shrsi %add3A_11, %shift_right_arithmetic3A_22 : vector<16xi32>
    %shift_right_arithmetic3A_24 = arith.constant 3 : i32
    %shift_right_arithmetic3A_25 = vector.broadcast %shift_right_arithmetic3A_24 : i32 to vector<16xi32>
    %shift_right_arithmetic3A_26 = arith.shrsi %add3A_15, %shift_right_arithmetic3A_25 : vector<16xi32>
    %and3A = arith.constant 7 : i32
    %and3A_27 = vector.broadcast %and3A : i32 to vector<16xi32>
    %and3A_28 = arith.andi %add3A_3, %and3A_27 : vector<16xi32>
    %and3A_29 = arith.constant 7 : i32
    %and3A_30 = vector.broadcast %and3A_29 : i32 to vector<16xi32>
    %and3A_31 = arith.andi %add3A_7, %and3A_30 : vector<16xi32>
    %and3A_32 = arith.constant 7 : i32
    %and3A_33 = vector.broadcast %and3A_32 : i32 to vector<16xi32>
    %and3A_34 = arith.andi %add3A_11, %and3A_33 : vector<16xi32>
    %and3A_35 = arith.constant 7 : i32
    %and3A_36 = vector.broadcast %and3A_35 : i32 to vector<16xi32>
    %and3A_37 = arith.andi %add3A_15, %and3A_36 : vector<16xi32>
    %dma_start3A = arith.constant 0 : i32
    %dma_start3A_38 = arith.constant 0 : i32
    %dma_start3A_39 = tpu.memref_slice %arg6[%dma_start3A, %dma_start3A_38] : memref<100x256xi32, #tpu.memory_space<vmem>> -> memref<1x256xi32, #tpu.memory_space<vmem>>
    %dma_start3A_40 = tpu.memref_squeeze %dma_start3A_39 : memref<1x256xi32, #tpu.memory_space<vmem>> -> memref<256xi32, #tpu.memory_space<vmem>>
    %dma_start3A_41 = arith.constant 0 : i32
    %dma_start3A_42 = arith.constant 0 : i32
    %dma_start3A_43 = tpu.memref_slice %arg2[%dma_start3A_41, %dma_start3A_42] : memref<1000000x64xf32, #tpu.memory_space<hbm>> -> memref<1000000x64xf32, #tpu.memory_space<hbm>>
    tpu.enqueue_indirect_dma source(%dma_start3A_43 : memref<1000000x64xf32, #tpu.memory_space<hbm>>) target(%arg8 : memref<256x64xf32, #tpu.memory_space<vmem>>) offsets(%dma_start3A_40 : memref<256xi32, #tpu.memory_space<vmem>>) semaphore(%arg12 : memref<!tpu.dma_semaphore, #tpu.memory_space<semaphore_mem>>)
    %dma_start3A_44 = arith.constant 1 : i32
    %dma_start3A_45 = arith.constant 0 : i32
    %dma_start3A_46 = tpu.memref_slice %arg6[%dma_start3A_44, %dma_start3A_45] : memref<100x256xi32, #tpu.memory_space<vmem>> -> memref<1x256xi32, #tpu.memory_space<vmem>>
    %dma_start3A_47 = tpu.memref_squeeze %dma_start3A_46 : memref<1x256xi32, #tpu.memory_space<vmem>> -> memref<256xi32, #tpu.memory_space<vmem>>
    %dma_start3A_48 = arith.constant 0 : i32
    %dma_start3A_49 = arith.constant 0 : i32
    %dma_start3A_50 = tpu.memref_slice %arg2[%dma_start3A_48, %dma_start3A_49] : memref<1000000x64xf32, #tpu.memory_space<hbm>> -> memref<1000000x64xf32, #tpu.memory_space<hbm>>
    tpu.enqueue_indirect_dma source(%dma_start3A_50 : memref<1000000x64xf32, #tpu.memory_space<hbm>>) target(%arg9 : memref<256x64xf32, #tpu.memory_space<vmem>>) offsets(%dma_start3A_47 : memref<256xi32, #tpu.memory_space<vmem>>) semaphore(%arg13 : memref<!tpu.dma_semaphore, #tpu.memory_space<semaphore_mem>>)
    %scan3A = arith.constant 0 : i32
    %scan3A_51 = arith.constant 50 : i32
    %scan3A_52 = arith.addi %scan3A, %scan3A_51 : i32
    %scan3A_53 = arith.constant 1 : i32
    scf.for %scan3A_98 = %scan3A to %scan3A_52 step %scan3A_53  : i32 {
      %mul3A_99 = arith.constant 2 : i32
      %mul3A_100 = arith.muli %scan3A_98, %mul3A_99 : i32
      %add3A_101 = arith.constant 0 : i32
      %add3A_102 = arith.addi %mul3A_100, %add3A_101 : i32
      %dma_wait3A_103 = arith.constant 0 : i32
      %dma_wait3A_104 = tpu.memref_slice %arg6[%add3A_102, %dma_wait3A_103] : memref<100x256xi32, #tpu.memory_space<vmem>> -> memref<1x256xi32, #tpu.memory_space<vmem>>
      %dma_wait3A_105 = tpu.memref_squeeze %dma_wait3A_104 : memref<1x256xi32, #tpu.memory_space<vmem>> -> memref<256xi32, #tpu.memory_space<vmem>>
      %dma_wait3A_106 = arith.constant 0 : i32
      %dma_wait3A_107 = arith.constant 0 : i32
      %dma_wait3A_108 = tpu.memref_slice %arg2[%dma_wait3A_106, %dma_wait3A_107] : memref<1000000x64xf32, #tpu.memory_space<hbm>> -> memref<1000000x64xf32, #tpu.memory_space<hbm>>
      tpu.wait_indirect_dma semaphore(%arg12 : memref<!tpu.dma_semaphore, #tpu.memory_space<semaphore_mem>>) src(%dma_wait3A_108 : memref<1000000x64xf32, #tpu.memory_space<hbm>>) dst(%arg8 : memref<256x64xf32, #tpu.memory_space<vmem>>)
      %ge3A = arith.constant 2 : i32
      %ge3A_109 = arith.cmpi sge, %add3A_102, %ge3A : i32
      %convert_element_type3A = arith.extui %ge3A_109 : i1 to i32
      %cond3A = arith.constant 0 : i32
      %cond3A_110 = arith.cmpi ne, %convert_element_type3A, %cond3A : i32
      scf.if %cond3A_110 {
        %sub3A = arith.constant 2 : i32
        %sub3A_299 = arith.subi %add3A_102, %sub3A : i32
        %mul3A_300 = arith.constant 2 : i32
        %mul3A_301 = arith.muli %sub3A_299, %mul3A_300 : i32
        %dma_wait3A_302 = arith.constant 0 : i32
        %dma_wait3A_303 = arith.constant 0 : i32
        %dma_wait3A_304 = arith.constant 0 : i32
        %dma_wait3A_305 = arith.constant 0 : i32
        %dma_wait3A_306 = tpu.memref_slice %arg10[%dma_wait3A_302, %dma_wait3A_303, %dma_wait3A_304, %dma_wait3A_305] : memref<2x8x8x133xf32, #tpu.memory_space<vmem>> -> memref<2x8x8x128xf32, #tpu.memory_space<vmem>>
        %dma_wait3A_307 = arith.constant 0 : i32
        %dma_wait3A_308 = arith.constant 0 : i32
        %dma_wait3A_309 = arith.constant 0 : i32
        %dma_wait3A_310 = tpu.memref_slice %arg5[%mul3A_301, %dma_wait3A_307, %add3A, %dma_wait3A_308, %dma_wait3A_309] : memref<200x8x32x8x128xf32, #tpu.memory_space<hbm>> -> memref<2x8x1x8x128xf32, #tpu.memory_space<hbm>>
        %dma_wait3A_311 = tpu.memref_squeeze %dma_wait3A_310 : memref<2x8x1x8x128xf32, #tpu.memory_space<hbm>> -> memref<2x8x8x128xf32, #tpu.memory_space<hbm>>
        %dma_wait3A_312 = arith.constant 0 : i32
        %dma_wait3A_313 = arith.constant 0 : i32
        %dma_wait3A_314 = arith.constant 0 : i32
        %dma_wait3A_315 = tpu.memref_slice %arg5[%mul3A_301, %dma_wait3A_312, %add3A, %dma_wait3A_313, %dma_wait3A_314] : memref<200x8x32x8x128xf32, #tpu.memory_space<hbm>> -> memref<2x8x1x8x128xf32, #tpu.memory_space<hbm>>
        %dma_wait3A_316 = tpu.memref_squeeze %dma_wait3A_315 : memref<2x8x1x8x128xf32, #tpu.memory_space<hbm>> -> memref<2x8x8x128xf32, #tpu.memory_space<hbm>>
        %dma_wait3A_317 = arith.constant 0 : i32
        %dma_wait3A_318 = arith.constant 0 : i32
        %dma_wait3A_319 = arith.constant 0 : i32
        %dma_wait3A_320 = arith.constant 0 : i32
        %dma_wait3A_321 = tpu.memref_slice %arg10[%dma_wait3A_317, %dma_wait3A_318, %dma_wait3A_319, %dma_wait3A_320] : memref<2x8x8x133xf32, #tpu.memory_space<vmem>> -> memref<2x8x8x128xf32, #tpu.memory_space<vmem>>
        tpu.wait_dma2 semaphore(%arg14 : memref<!tpu.dma_semaphore, #tpu.memory_space<semaphore_mem>>) src(%dma_wait3A_321 : memref<2x8x8x128xf32, #tpu.memory_space<vmem>>) dst(%dma_wait3A_316 : memref<2x8x8x128xf32, #tpu.memory_space<hbm>>)
      } else {
      }
      %mul3A_111 = arith.constant 2 : i32
      %mul3A_112 = arith.muli %add3A_102, %mul3A_111 : i32
      %add3A_113 = arith.constant 0 : i32
      %add3A_114 = arith.addi %mul3A_112, %add3A_113 : i32
      %get3A = arith.index_cast %add3A_114 : i32 to index
      %get3A_115 = arith.constant 0 : index
      %get3A_116 = tpu.vector_load %arg7[%get3A, %get3A_115] {strides = array<i32>} : memref<200x64xf32, #tpu.memory_space<vmem>>, vector<16xf32>,
      %mul3A_117 = arith.constant 2 : i32
      %mul3A_118 = arith.muli %add3A_102, %mul3A_117 : i32
      %add3A_119 = arith.constant 0 : i32
      %add3A_120 = arith.addi %mul3A_118, %add3A_119 : i32
      %get3A_121 = arith.index_cast %add3A_120 : i32 to index
      %get3A_122 = arith.constant 16 : index
      %get3A_123 = tpu.vector_load %arg7[%get3A_121, %get3A_122] {strides = array<i32>} : memref<200x64xf32, #tpu.memory_space<vmem>>, vector<16xf32>,
      %mul3A_124 = arith.constant 2 : i32
      %mul3A_125 = arith.muli %add3A_102, %mul3A_124 : i32
      %add3A_126 = arith.constant 0 : i32
      %add3A_127 = arith.addi %mul3A_125, %add3A_126 : i32
      %get3A_128 = arith.index_cast %add3A_127 : i32 to index
      %get3A_129 = arith.constant 32 : index
      %get3A_130 = tpu.vector_load %arg7[%get3A_128, %get3A_129] {strides = array<i32>} : memref<200x64xf32, #tpu.memory_space<vmem>>, vector<16xf32>,
      %mul3A_131 = arith.constant 2 : i32
      %mul3A_132 = arith.muli %add3A_102, %mul3A_131 : i32
      %add3A_133 = arith.constant 0 : i32
      %add3A_134 = arith.addi %mul3A_132, %add3A_133 : i32
      %get3A_135 = arith.index_cast %add3A_134 : i32 to index
      %get3A_136 = arith.constant 48 : index
      %get3A_137 = tpu.vector_load %arg7[%get3A_135, %get3A_136] {strides = array<i32>} : memref<200x64xf32, #tpu.memory_space<vmem>>, vector<16xf32>,
      %mul3A_138 = arith.constant 2 : i32
      %mul3A_139 = arith.muli %add3A_102, %mul3A_138 : i32
      %add3A_140 = arith.constant 1 : i32
      %add3A_141 = arith.addi %mul3A_139, %add3A_140 : i32
      %get3A_142 = arith.index_cast %add3A_141 : i32 to index
      %get3A_143 = arith.constant 0 : index
      %get3A_144 = tpu.vector_load %arg7[%get3A_142, %get3A_143] {strides = array<i32>} : memref<200x64xf32, #tpu.memory_space<vmem>>, vector<16xf32>,
      %mul3A_145 = arith.constant 2 : i32
      %mul3A_146 = arith.muli %add3A_102, %mul3A_145 : i32
      %add3A_147 = arith.constant 1 : i32
      %add3A_148 = arith.addi %mul3A_146, %add3A_147 : i32
      %get3A_149 = arith.index_cast %add3A_148 : i32 to index
      %get3A_150 = arith.constant 16 : index
      %get3A_151 = tpu.vector_load %arg7[%get3A_149, %get3A_150] {strides = array<i32>} : memref<200x64xf32, #tpu.memory_space<vmem>>, vector<16xf32>,
      %mul3A_152 = arith.constant 2 : i32
      %mul3A_153 = arith.muli %add3A_102, %mul3A_152 : i32
      %add3A_154 = arith.constant 1 : i32
      %add3A_155 = arith.addi %mul3A_153, %add3A_154 : i32
      %get3A_156 = arith.index_cast %add3A_155 : i32 to index
      %get3A_157 = arith.constant 32 : index
      %get3A_158 = tpu.vector_load %arg7[%get3A_156, %get3A_157] {strides = array<i32>} : memref<200x64xf32, #tpu.memory_space<vmem>>, vector<16xf32>,
      %mul3A_159 = arith.constant 2 : i32
      %mul3A_160 = arith.muli %add3A_102, %mul3A_159 : i32
      %add3A_161 = arith.constant 1 : i32
      %add3A_162 = arith.addi %mul3A_160, %add3A_161 : i32
      %get3A_163 = arith.index_cast %add3A_162 : i32 to index
      %get3A_164 = arith.constant 48 : index
      %get3A_165 = tpu.vector_load %arg7[%get3A_163, %get3A_164] {strides = array<i32>} : memref<200x64xf32, #tpu.memory_space<vmem>>, vector<16xf32>,
      %parallel_loop3A = arith.constant 0 : i32
      %parallel_loop3A_166 = arith.constant 256 : i32
      %parallel_loop3A_167 = arith.constant 1 : i32
      scf.for %parallel_loop3A_299 = %parallel_loop3A to %parallel_loop3A_166 step %parallel_loop3A_167  : i32 {
        %parallel_loop3A_300 = arith.constant 7 : i32
        %parallel_loop3A_301 = arith.shrsi %parallel_loop3A_299, %parallel_loop3A_300 : i32
        %parallel_loop3A_302 = arith.constant 127 : i32
        %parallel_loop3A_303 = arith.andi %parallel_loop3A_299, %parallel_loop3A_302 : i32
        %parallel_loop3A_304 = vector.broadcast %parallel_loop3A_301 : i32 to vector<16xi32>
        %parallel_loop3A_305 = vector.broadcast %parallel_loop3A_303 : i32 to vector<16xi32>
        %parallel_loop3A_306 = arith.constant 0 : i32
        %parallel_loop3A_307 = arith.cmpi eq, %parallel_loop3A_301, %parallel_loop3A_306 : i32
        %parallel_loop3A_308 = arith.select %parallel_loop3A_307, %get3A_116, %get3A_144 : vector<16xf32>
        %parallel_loop3A_309 = arith.index_cast %parallel_loop3A_299 : i32 to index
        %parallel_loop3A_310 = arith.constant 0 : index
        %parallel_loop3A_311 = tpu.vector_load %arg8[%parallel_loop3A_309, %parallel_loop3A_310] {strides = array<i32>} : memref<256x64xf32, #tpu.memory_space<vmem>>, vector<16xf32>,
        %parallel_loop3A_312 = arith.addf %parallel_loop3A_311, %parallel_loop3A_308 : vector<16xf32>
        tpu.vector_store_idx %arg10[%parallel_loop3A_304, %shift_right_arithmetic3A_17, %and3A_28, %parallel_loop3A_305], %parallel_loop3A_312 : memref<2x8x8x133xf32, #tpu.memory_space<vmem>>[vector<16xi32>, vector<16xi32>, vector<16xi32>, vector<16xi32>], vector<16xf32>,
        %parallel_loop3A_313 = arith.constant 0 : i32
        %parallel_loop3A_314 = arith.cmpi eq, %parallel_loop3A_301, %parallel_loop3A_313 : i32
        %parallel_loop3A_315 = arith.select %parallel_loop3A_314, %get3A_123, %get3A_151 : vector<16xf32>
        %parallel_loop3A_316 = arith.index_cast %parallel_loop3A_299 : i32 to index
        %parallel_loop3A_317 = arith.constant 16 : index
        %parallel_loop3A_318 = tpu.vector_load %arg8[%parallel_loop3A_316, %parallel_loop3A_317] {strides = array<i32>} : memref<256x64xf32, #tpu.memory_space<vmem>>, vector<16xf32>,
        %parallel_loop3A_319 = arith.addf %parallel_loop3A_318, %parallel_loop3A_315 : vector<16xf32>
        tpu.vector_store_idx %arg10[%parallel_loop3A_304, %shift_right_arithmetic3A_20, %and3A_31, %parallel_loop3A_305], %parallel_loop3A_319 : memref<2x8x8x133xf32, #tpu.memory_space<vmem>>[vector<16xi32>, vector<16xi32>, vector<16xi32>, vector<16xi32>], vector<16xf32>,
        %parallel_loop3A_320 = arith.constant 0 : i32
        %parallel_loop3A_321 = arith.cmpi eq, %parallel_loop3A_301, %parallel_loop3A_320 : i32
        %parallel_loop3A_322 = arith.select %parallel_loop3A_321, %get3A_130, %get3A_158 : vector<16xf32>
        %parallel_loop3A_323 = arith.index_cast %parallel_loop3A_299 : i32 to index
        %parallel_loop3A_324 = arith.constant 32 : index
        %parallel_loop3A_325 = tpu.vector_load %arg8[%parallel_loop3A_323, %parallel_loop3A_324] {strides = array<i32>} : memref<256x64xf32, #tpu.memory_space<vmem>>, vector<16xf32>,
        %parallel_loop3A_326 = arith.addf %parallel_loop3A_325, %parallel_loop3A_322 : vector<16xf32>
        tpu.vector_store_idx %arg10[%parallel_loop3A_304, %shift_right_arithmetic3A_23, %and3A_34, %parallel_loop3A_305], %parallel_loop3A_326 : memref<2x8x8x133xf32, #tpu.memory_space<vmem>>[vector<16xi32>, vector<16xi32>, vector<16xi32>, vector<16xi32>], vector<16xf32>,
        %parallel_loop3A_327 = arith.constant 0 : i32
        %parallel_loop3A_328 = arith.cmpi eq, %parallel_loop3A_301, %parallel_loop3A_327 : i32
        %parallel_loop3A_329 = arith.select %parallel_loop3A_328, %get3A_137, %get3A_165 : vector<16xf32>
        %parallel_loop3A_330 = arith.index_cast %parallel_loop3A_299 : i32 to index
        %parallel_loop3A_331 = arith.constant 48 : index
        %parallel_loop3A_332 = tpu.vector_load %arg8[%parallel_loop3A_330, %parallel_loop3A_331] {strides = array<i32>} : memref<256x64xf32, #tpu.memory_space<vmem>>, vector<16xf32>,
        %parallel_loop3A_333 = arith.addf %parallel_loop3A_332, %parallel_loop3A_329 : vector<16xf32>
        tpu.vector_store_idx %arg10[%parallel_loop3A_304, %shift_right_arithmetic3A_26, %and3A_37, %parallel_loop3A_305], %parallel_loop3A_333 : memref<2x8x8x133xf32, #tpu.memory_space<vmem>>[vector<16xi32>, vector<16xi32>, vector<16xi32>, vector<16xi32>], vector<16xf32>,
      } {sc.loop_unroll_factor = 4 : i64, sc.parallel_access}
      %mul3A_168 = arith.constant 2 : i32
      %mul3A_169 = arith.muli %add3A_102, %mul3A_168 : i32
      %dma_start3A_170 = arith.constant 0 : i32
      %dma_start3A_171 = arith.constant 0 : i32
      %dma_start3A_172 = arith.constant 0 : i32
      %dma_start3A_173 = arith.constant 0 : i32
      %dma_start3A_174 = tpu.memref_slice %arg10[%dma_start3A_170, %dma_start3A_171, %dma_start3A_172, %dma_start3A_173] : memref<2x8x8x133xf32, #tpu.memory_space<vmem>> -> memref<2x8x8x128xf32, #tpu.memory_space<vmem>>
      %dma_start3A_175 = arith.constant 0 : i32
      %dma_start3A_176 = arith.constant 0 : i32
      %dma_start3A_177 = arith.constant 0 : i32
      %dma_start3A_178 = tpu.memref_slice %arg5[%mul3A_169, %dma_start3A_175, %add3A, %dma_start3A_176, %dma_start3A_177] : memref<200x8x32x8x128xf32, #tpu.memory_space<hbm>> -> memref<2x8x1x8x128xf32, #tpu.memory_space<hbm>>
      %dma_start3A_179 = tpu.memref_squeeze %dma_start3A_178 : memref<2x8x1x8x128xf32, #tpu.memory_space<hbm>> -> memref<2x8x8x128xf32, #tpu.memory_space<hbm>>
      %dma_start3A_180 = arith.constant 0 : i32
      %dma_start3A_181 = arith.constant 0 : i32
      %dma_start3A_182 = arith.constant 0 : i32
      %dma_start3A_183 = tpu.memref_slice %arg5[%mul3A_169, %dma_start3A_180, %add3A, %dma_start3A_181, %dma_start3A_182] : memref<200x8x32x8x128xf32, #tpu.memory_space<hbm>> -> memref<2x8x1x8x128xf32, #tpu.memory_space<hbm>>
      %dma_start3A_184 = tpu.memref_squeeze %dma_start3A_183 : memref<2x8x1x8x128xf32, #tpu.memory_space<hbm>> -> memref<2x8x8x128xf32, #tpu.memory_space<hbm>>
      %dma_start3A_185 = arith.constant 0 : i32
      %dma_start3A_186 = arith.constant 0 : i32
      %dma_start3A_187 = arith.constant 0 : i32
      %dma_start3A_188 = arith.constant 0 : i32
      %dma_start3A_189 = tpu.memref_slice %arg10[%dma_start3A_185, %dma_start3A_186, %dma_start3A_187, %dma_start3A_188] : memref<2x8x8x133xf32, #tpu.memory_space<vmem>> -> memref<2x8x8x128xf32, #tpu.memory_space<vmem>>
      tpu.enqueue_dma source(%dma_start3A_189 : memref<2x8x8x128xf32, #tpu.memory_space<vmem>>) target(%dma_start3A_184 : memref<2x8x8x128xf32, #tpu.memory_space<hbm>>) target_semaphore(%arg14 : memref<!tpu.dma_semaphore, #tpu.memory_space<semaphore_mem>>)
      %add3A_190 = arith.constant 2 : i32
      %add3A_191 = arith.addi %add3A_102, %add3A_190 : i32
      %lt3A = arith.constant 100 : i32
      %lt3A_192 = arith.cmpi slt, %add3A_191, %lt3A : i32
      %convert_element_type3A_193 = arith.extui %lt3A_192 : i1 to i32
      %cond3A_194 = arith.constant 0 : i32
      %cond3A_195 = arith.cmpi ne, %convert_element_type3A_193, %cond3A_194 : i32
      scf.if %cond3A_195 {
        %add3A_299 = arith.constant 2 : i32
        %add3A_300 = arith.addi %add3A_102, %add3A_299 : i32
        %dma_start3A_301 = arith.constant 0 : i32
        %dma_start3A_302 = tpu.memref_slice %arg6[%add3A_300, %dma_start3A_301] : memref<100x256xi32, #tpu.memory_space<vmem>> -> memref<1x256xi32, #tpu.memory_space<vmem>>
        %dma_start3A_303 = tpu.memref_squeeze %dma_start3A_302 : memref<1x256xi32, #tpu.memory_space<vmem>> -> memref<256xi32, #tpu.memory_space<vmem>>
        %dma_start3A_304 = arith.constant 0 : i32
        %dma_start3A_305 = arith.constant 0 : i32
        %dma_start3A_306 = tpu.memref_slice %arg2[%dma_start3A_304, %dma_start3A_305] : memref<1000000x64xf32, #tpu.memory_space<hbm>> -> memref<1000000x64xf32, #tpu.memory_space<hbm>>
        tpu.enqueue_indirect_dma source(%dma_start3A_306 : memref<1000000x64xf32, #tpu.memory_space<hbm>>) target(%arg8 : memref<256x64xf32, #tpu.memory_space<vmem>>) offsets(%dma_start3A_303 : memref<256xi32, #tpu.memory_space<vmem>>) semaphore(%arg12 : memref<!tpu.dma_semaphore, #tpu.memory_space<semaphore_mem>>)
      } else {
      }
      %mul3A_196 = arith.constant 2 : i32
      %mul3A_197 = arith.muli %scan3A_98, %mul3A_196 : i32
      %add3A_198 = arith.constant 1 : i32
      %add3A_199 = arith.addi %mul3A_197, %add3A_198 : i32
      %dma_wait3A_200 = arith.constant 0 : i32
      %dma_wait3A_201 = tpu.memref_slice %arg6[%add3A_199, %dma_wait3A_200] : memref<100x256xi32, #tpu.memory_space<vmem>> -> memref<1x256xi32, #tpu.memory_space<vmem>>
      %dma_wait3A_202 = tpu.memref_squeeze %dma_wait3A_201 : memref<1x256xi32, #tpu.memory_space<vmem>> -> memref<256xi32, #tpu.memory_space<vmem>>
      %dma_wait3A_203 = arith.constant 0 : i32
      %dma_wait3A_204 = arith.constant 0 : i32
      %dma_wait3A_205 = tpu.memref_slice %arg2[%dma_wait3A_203, %dma_wait3A_204] : memref<1000000x64xf32, #tpu.memory_space<hbm>> -> memref<1000000x64xf32, #tpu.memory_space<hbm>>
      tpu.wait_indirect_dma semaphore(%arg13 : memref<!tpu.dma_semaphore, #tpu.memory_space<semaphore_mem>>) src(%dma_wait3A_205 : memref<1000000x64xf32, #tpu.memory_space<hbm>>) dst(%arg9 : memref<256x64xf32, #tpu.memory_space<vmem>>)
      %ge3A_206 = arith.constant 2 : i32
      %ge3A_207 = arith.cmpi sge, %add3A_199, %ge3A_206 : i32
      %convert_element_type3A_208 = arith.extui %ge3A_207 : i1 to i32
      %cond3A_209 = arith.constant 0 : i32
      %cond3A_210 = arith.cmpi ne, %convert_element_type3A_208, %cond3A_209 : i32
      scf.if %cond3A_210 {
        %sub3A = arith.constant 2 : i32
        %sub3A_299 = arith.subi %add3A_199, %sub3A : i32
        %mul3A_300 = arith.constant 2 : i32
        %mul3A_301 = arith.muli %sub3A_299, %mul3A_300 : i32
        %dma_wait3A_302 = arith.constant 0 : i32
        %dma_wait3A_303 = arith.constant 0 : i32
        %dma_wait3A_304 = arith.constant 0 : i32
        %dma_wait3A_305 = arith.constant 0 : i32
        %dma_wait3A_306 = tpu.memref_slice %arg11[%dma_wait3A_302, %dma_wait3A_303, %dma_wait3A_304, %dma_wait3A_305] : memref<2x8x8x133xf32, #tpu.memory_space<vmem>> -> memref<2x8x8x128xf32, #tpu.memory_space<vmem>>
        %dma_wait3A_307 = arith.constant 0 : i32
        %dma_wait3A_308 = arith.constant 0 : i32
        %dma_wait3A_309 = arith.constant 0 : i32
        %dma_wait3A_310 = tpu.memref_slice %arg5[%mul3A_301, %dma_wait3A_307, %add3A, %dma_wait3A_308, %dma_wait3A_309] : memref<200x8x32x8x128xf32, #tpu.memory_space<hbm>> -> memref<2x8x1x8x128xf32, #tpu.memory_space<hbm>>
        %dma_wait3A_311 = tpu.memref_squeeze %dma_wait3A_310 : memref<2x8x1x8x128xf32, #tpu.memory_space<hbm>> -> memref<2x8x8x128xf32, #tpu.memory_space<hbm>>
        %dma_wait3A_312 = arith.constant 0 : i32
        %dma_wait3A_313 = arith.constant 0 : i32
        %dma_wait3A_314 = arith.constant 0 : i32
        %dma_wait3A_315 = tpu.memref_slice %arg5[%mul3A_301, %dma_wait3A_312, %add3A, %dma_wait3A_313, %dma_wait3A_314] : memref<200x8x32x8x128xf32, #tpu.memory_space<hbm>> -> memref<2x8x1x8x128xf32, #tpu.memory_space<hbm>>
        %dma_wait3A_316 = tpu.memref_squeeze %dma_wait3A_315 : memref<2x8x1x8x128xf32, #tpu.memory_space<hbm>> -> memref<2x8x8x128xf32, #tpu.memory_space<hbm>>
        %dma_wait3A_317 = arith.constant 0 : i32
        %dma_wait3A_318 = arith.constant 0 : i32
        %dma_wait3A_319 = arith.constant 0 : i32
        %dma_wait3A_320 = arith.constant 0 : i32
        %dma_wait3A_321 = tpu.memref_slice %arg11[%dma_wait3A_317, %dma_wait3A_318, %dma_wait3A_319, %dma_wait3A_320] : memref<2x8x8x133xf32, #tpu.memory_space<vmem>> -> memref<2x8x8x128xf32, #tpu.memory_space<vmem>>
        tpu.wait_dma2 semaphore(%arg15 : memref<!tpu.dma_semaphore, #tpu.memory_space<semaphore_mem>>) src(%dma_wait3A_321 : memref<2x8x8x128xf32, #tpu.memory_space<vmem>>) dst(%dma_wait3A_316 : memref<2x8x8x128xf32, #tpu.memory_space<hbm>>)
      } else {
      }
      %mul3A_211 = arith.constant 2 : i32
      %mul3A_212 = arith.muli %add3A_199, %mul3A_211 : i32
      %add3A_213 = arith.constant 0 : i32
      %add3A_214 = arith.addi %mul3A_212, %add3A_213 : i32
      %get3A_215 = arith.index_cast %add3A_214 : i32 to index
      %get3A_216 = arith.constant 0 : index
      %get3A_217 = tpu.vector_load %arg7[%get3A_215, %get3A_216] {strides = array<i32>} : memref<200x64xf32, #tpu.memory_space<vmem>>, vector<16xf32>,
      %mul3A_218 = arith.constant 2 : i32
      %mul3A_219 = arith.muli %add3A_199, %mul3A_218 : i32
      %add3A_220 = arith.constant 0 : i32
      %add3A_221 = arith.addi %mul3A_219, %add3A_220 : i32
      %get3A_222 = arith.index_cast %add3A_221 : i32 to index
      %get3A_223 = arith.constant 16 : index
      %get3A_224 = tpu.vector_load %arg7[%get3A_222, %get3A_223] {strides = array<i32>} : memref<200x64xf32, #tpu.memory_space<vmem>>, vector<16xf32>,
      %mul3A_225 = arith.constant 2 : i32
      %mul3A_226 = arith.muli %add3A_199, %mul3A_225 : i32
      %add3A_227 = arith.constant 0 : i32
      %add3A_228 = arith.addi %mul3A_226, %add3A_227 : i32
      %get3A_229 = arith.index_cast %add3A_228 : i32 to index
      %get3A_230 = arith.constant 32 : index
      %get3A_231 = tpu.vector_load %arg7[%get3A_229, %get3A_230] {strides = array<i32>} : memref<200x64xf32, #tpu.memory_space<vmem>>, vector<16xf32>,
      %mul3A_232 = arith.constant 2 : i32
      %mul3A_233 = arith.muli %add3A_199, %mul3A_232 : i32
      %add3A_234 = arith.constant 0 : i32
      %add3A_235 = arith.addi %mul3A_233, %add3A_234 : i32
      %get3A_236 = arith.index_cast %add3A_235 : i32 to index
      %get3A_237 = arith.constant 48 : index
      %get3A_238 = tpu.vector_load %arg7[%get3A_236, %get3A_237] {strides = array<i32>} : memref<200x64xf32, #tpu.memory_space<vmem>>, vector<16xf32>,
      %mul3A_239 = arith.constant 2 : i32
      %mul3A_240 = arith.muli %add3A_199, %mul3A_239 : i32
      %add3A_241 = arith.constant 1 : i32
      %add3A_242 = arith.addi %mul3A_240, %add3A_241 : i32
      %get3A_243 = arith.index_cast %add3A_242 : i32 to index
      %get3A_244 = arith.constant 0 : index
      %get3A_245 = tpu.vector_load %arg7[%get3A_243, %get3A_244] {strides = array<i32>} : memref<200x64xf32, #tpu.memory_space<vmem>>, vector<16xf32>,
      %mul3A_246 = arith.constant 2 : i32
      %mul3A_247 = arith.muli %add3A_199, %mul3A_246 : i32
      %add3A_248 = arith.constant 1 : i32
      %add3A_249 = arith.addi %mul3A_247, %add3A_248 : i32
      %get3A_250 = arith.index_cast %add3A_249 : i32 to index
      %get3A_251 = arith.constant 16 : index
      %get3A_252 = tpu.vector_load %arg7[%get3A_250, %get3A_251] {strides = array<i32>} : memref<200x64xf32, #tpu.memory_space<vmem>>, vector<16xf32>,
      %mul3A_253 = arith.constant 2 : i32
      %mul3A_254 = arith.muli %add3A_199, %mul3A_253 : i32
      %add3A_255 = arith.constant 1 : i32
      %add3A_256 = arith.addi %mul3A_254, %add3A_255 : i32
      %get3A_257 = arith.index_cast %add3A_256 : i32 to index
      %get3A_258 = arith.constant 32 : index
      %get3A_259 = tpu.vector_load %arg7[%get3A_257, %get3A_258] {strides = array<i32>} : memref<200x64xf32, #tpu.memory_space<vmem>>, vector<16xf32>,
      %mul3A_260 = arith.constant 2 : i32
      %mul3A_261 = arith.muli %add3A_199, %mul3A_260 : i32
      %add3A_262 = arith.constant 1 : i32
      %add3A_263 = arith.addi %mul3A_261, %add3A_262 : i32
      %get3A_264 = arith.index_cast %add3A_263 : i32 to index
      %get3A_265 = arith.constant 48 : index
      %get3A_266 = tpu.vector_load %arg7[%get3A_264, %get3A_265] {strides = array<i32>} : memref<200x64xf32, #tpu.memory_space<vmem>>, vector<16xf32>,
      %parallel_loop3A_267 = arith.constant 0 : i32
      %parallel_loop3A_268 = arith.constant 256 : i32
      %parallel_loop3A_269 = arith.constant 1 : i32
      scf.for %parallel_loop3A_299 = %parallel_loop3A_267 to %parallel_loop3A_268 step %parallel_loop3A_269  : i32 {
        %parallel_loop3A_300 = arith.constant 7 : i32
        %parallel_loop3A_301 = arith.shrsi %parallel_loop3A_299, %parallel_loop3A_300 : i32
        %parallel_loop3A_302 = arith.constant 127 : i32
        %parallel_loop3A_303 = arith.andi %parallel_loop3A_299, %parallel_loop3A_302 : i32
        %parallel_loop3A_304 = vector.broadcast %parallel_loop3A_301 : i32 to vector<16xi32>
        %parallel_loop3A_305 = vector.broadcast %parallel_loop3A_303 : i32 to vector<16xi32>
        %parallel_loop3A_306 = arith.constant 0 : i32
        %parallel_loop3A_307 = arith.cmpi eq, %parallel_loop3A_301, %parallel_loop3A_306 : i32
        %parallel_loop3A_308 = arith.select %parallel_loop3A_307, %get3A_217, %get3A_245 : vector<16xf32>
        %parallel_loop3A_309 = arith.index_cast %parallel_loop3A_299 : i32 to index
        %parallel_loop3A_310 = arith.constant 0 : index
        %parallel_loop3A_311 = tpu.vector_load %arg9[%parallel_loop3A_309, %parallel_loop3A_310] {strides = array<i32>} : memref<256x64xf32, #tpu.memory_space<vmem>>, vector<16xf32>,
        %parallel_loop3A_312 = arith.addf %parallel_loop3A_311, %parallel_loop3A_308 : vector<16xf32>
        tpu.vector_store_idx %arg11[%parallel_loop3A_304, %shift_right_arithmetic3A_17, %and3A_28, %parallel_loop3A_305], %parallel_loop3A_312 : memref<2x8x8x133xf32, #tpu.memory_space<vmem>>[vector<16xi32>, vector<16xi32>, vector<16xi32>, vector<16xi32>], vector<16xf32>,
        %parallel_loop3A_313 = arith.constant 0 : i32
        %parallel_loop3A_314 = arith.cmpi eq, %parallel_loop3A_301, %parallel_loop3A_313 : i32
        %parallel_loop3A_315 = arith.select %parallel_loop3A_314, %get3A_224, %get3A_252 : vector<16xf32>
        %parallel_loop3A_316 = arith.index_cast %parallel_loop3A_299 : i32 to index
        %parallel_loop3A_317 = arith.constant 16 : index
        %parallel_loop3A_318 = tpu.vector_load %arg9[%parallel_loop3A_316, %parallel_loop3A_317] {strides = array<i32>} : memref<256x64xf32, #tpu.memory_space<vmem>>, vector<16xf32>,
        %parallel_loop3A_319 = arith.addf %parallel_loop3A_318, %parallel_loop3A_315 : vector<16xf32>
        tpu.vector_store_idx %arg11[%parallel_loop3A_304, %shift_right_arithmetic3A_20, %and3A_31, %parallel_loop3A_305], %parallel_loop3A_319 : memref<2x8x8x133xf32, #tpu.memory_space<vmem>>[vector<16xi32>, vector<16xi32>, vector<16xi32>, vector<16xi32>], vector<16xf32>,
        %parallel_loop3A_320 = arith.constant 0 : i32
        %parallel_loop3A_321 = arith.cmpi eq, %parallel_loop3A_301, %parallel_loop3A_320 : i32
        %parallel_loop3A_322 = arith.select %parallel_loop3A_321, %get3A_231, %get3A_259 : vector<16xf32>
        %parallel_loop3A_323 = arith.index_cast %parallel_loop3A_299 : i32 to index
        %parallel_loop3A_324 = arith.constant 32 : index
        %parallel_loop3A_325 = tpu.vector_load %arg9[%parallel_loop3A_323, %parallel_loop3A_324] {strides = array<i32>} : memref<256x64xf32, #tpu.memory_space<vmem>>, vector<16xf32>,
        %parallel_loop3A_326 = arith.addf %parallel_loop3A_325, %parallel_loop3A_322 : vector<16xf32>
        tpu.vector_store_idx %arg11[%parallel_loop3A_304, %shift_right_arithmetic3A_23, %and3A_34, %parallel_loop3A_305], %parallel_loop3A_326 : memref<2x8x8x133xf32, #tpu.memory_space<vmem>>[vector<16xi32>, vector<16xi32>, vector<16xi32>, vector<16xi32>], vector<16xf32>,
        %parallel_loop3A_327 = arith.constant 0 : i32
        %parallel_loop3A_328 = arith.cmpi eq, %parallel_loop3A_301, %parallel_loop3A_327 : i32
        %parallel_loop3A_329 = arith.select %parallel_loop3A_328, %get3A_238, %get3A_266 : vector<16xf32>
        %parallel_loop3A_330 = arith.index_cast %parallel_loop3A_299 : i32 to index
        %parallel_loop3A_331 = arith.constant 48 : index
        %parallel_loop3A_332 = tpu.vector_load %arg9[%parallel_loop3A_330, %parallel_loop3A_331] {strides = array<i32>} : memref<256x64xf32, #tpu.memory_space<vmem>>, vector<16xf32>,
        %parallel_loop3A_333 = arith.addf %parallel_loop3A_332, %parallel_loop3A_329 : vector<16xf32>
        tpu.vector_store_idx %arg11[%parallel_loop3A_304, %shift_right_arithmetic3A_26, %and3A_37, %parallel_loop3A_305], %parallel_loop3A_333 : memref<2x8x8x133xf32, #tpu.memory_space<vmem>>[vector<16xi32>, vector<16xi32>, vector<16xi32>, vector<16xi32>], vector<16xf32>,
      } {sc.loop_unroll_factor = 4 : i64, sc.parallel_access}
      %mul3A_270 = arith.constant 2 : i32
      %mul3A_271 = arith.muli %add3A_199, %mul3A_270 : i32
      %dma_start3A_272 = arith.constant 0 : i32
      %dma_start3A_273 = arith.constant 0 : i32
      %dma_start3A_274 = arith.constant 0 : i32
      %dma_start3A_275 = arith.constant 0 : i32
      %dma_start3A_276 = tpu.memref_slice %arg11[%dma_start3A_272, %dma_start3A_273, %dma_start3A_274, %dma_start3A_275] : memref<2x8x8x133xf32, #tpu.memory_space<vmem>> -> memref<2x8x8x128xf32, #tpu.memory_space<vmem>>
      %dma_start3A_277 = arith.constant 0 : i32
      %dma_start3A_278 = arith.constant 0 : i32
      %dma_start3A_279 = arith.constant 0 : i32
      %dma_start3A_280 = tpu.memref_slice %arg5[%mul3A_271, %dma_start3A_277, %add3A, %dma_start3A_278, %dma_start3A_279] : memref<200x8x32x8x128xf32, #tpu.memory_space<hbm>> -> memref<2x8x1x8x128xf32, #tpu.memory_space<hbm>>
      %dma_start3A_281 = tpu.memref_squeeze %dma_start3A_280 : memref<2x8x1x8x128xf32, #tpu.memory_space<hbm>> -> memref<2x8x8x128xf32, #tpu.memory_space<hbm>>
      %dma_start3A_282 = arith.constant 0 : i32
      %dma_start3A_283 = arith.constant 0 : i32
      %dma_start3A_284 = arith.constant 0 : i32
      %dma_start3A_285 = tpu.memref_slice %arg5[%mul3A_271, %dma_start3A_282, %add3A, %dma_start3A_283, %dma_start3A_284] : memref<200x8x32x8x128xf32, #tpu.memory_space<hbm>> -> memref<2x8x1x8x128xf32, #tpu.memory_space<hbm>>
      %dma_start3A_286 = tpu.memref_squeeze %dma_start3A_285 : memref<2x8x1x8x128xf32, #tpu.memory_space<hbm>> -> memref<2x8x8x128xf32, #tpu.memory_space<hbm>>
      %dma_start3A_287 = arith.constant 0 : i32
      %dma_start3A_288 = arith.constant 0 : i32
      %dma_start3A_289 = arith.constant 0 : i32
      %dma_start3A_290 = arith.constant 0 : i32
      %dma_start3A_291 = tpu.memref_slice %arg11[%dma_start3A_287, %dma_start3A_288, %dma_start3A_289, %dma_start3A_290] : memref<2x8x8x133xf32, #tpu.memory_space<vmem>> -> memref<2x8x8x128xf32, #tpu.memory_space<vmem>>
      tpu.enqueue_dma source(%dma_start3A_291 : memref<2x8x8x128xf32, #tpu.memory_space<vmem>>) target(%dma_start3A_286 : memref<2x8x8x128xf32, #tpu.memory_space<hbm>>) target_semaphore(%arg15 : memref<!tpu.dma_semaphore, #tpu.memory_space<semaphore_mem>>)
      %add3A_292 = arith.constant 2 : i32
      %add3A_293 = arith.addi %add3A_199, %add3A_292 : i32
      %lt3A_294 = arith.constant 100 : i32
      %lt3A_295 = arith.cmpi slt, %add3A_293, %lt3A_294 : i32
      %convert_element_type3A_296 = arith.extui %lt3A_295 : i1 to i32
      %cond3A_297 = arith.constant 0 : i32
      %cond3A_298 = arith.cmpi ne, %convert_element_type3A_296, %cond3A_297 : i32
      scf.if %cond3A_298 {
        %add3A_299 = arith.constant 2 : i32
        %add3A_300 = arith.addi %add3A_199, %add3A_299 : i32
        %dma_start3A_301 = arith.constant 0 : i32
        %dma_start3A_302 = tpu.memref_slice %arg6[%add3A_300, %dma_start3A_301] : memref<100x256xi32, #tpu.memory_space<vmem>> -> memref<1x256xi32, #tpu.memory_space<vmem>>
        %dma_start3A_303 = tpu.memref_squeeze %dma_start3A_302 : memref<1x256xi32, #tpu.memory_space<vmem>> -> memref<256xi32, #tpu.memory_space<vmem>>
        %dma_start3A_304 = arith.constant 0 : i32
        %dma_start3A_305 = arith.constant 0 : i32
        %dma_start3A_306 = tpu.memref_slice %arg2[%dma_start3A_304, %dma_start3A_305] : memref<1000000x64xf32, #tpu.memory_space<hbm>> -> memref<1000000x64xf32, #tpu.memory_space<hbm>>
        tpu.enqueue_indirect_dma source(%dma_start3A_306 : memref<1000000x64xf32, #tpu.memory_space<hbm>>) target(%arg9 : memref<256x64xf32, #tpu.memory_space<vmem>>) offsets(%dma_start3A_303 : memref<256xi32, #tpu.memory_space<vmem>>) semaphore(%arg13 : memref<!tpu.dma_semaphore, #tpu.memory_space<semaphore_mem>>)
      } else {
      }
    }
    %scan3A_54 = arith.constant 50 : i32
    %dma_wait3A = arith.constant 0 : i32
    %dma_wait3A_55 = arith.constant 0 : i32
    %dma_wait3A_56 = arith.constant 0 : i32
    %dma_wait3A_57 = arith.constant 0 : i32
    %dma_wait3A_58 = tpu.memref_slice %arg10[%dma_wait3A, %dma_wait3A_55, %dma_wait3A_56, %dma_wait3A_57] : memref<2x8x8x133xf32, #tpu.memory_space<vmem>> -> memref<2x8x8x128xf32, #tpu.memory_space<vmem>>
    %dma_wait3A_59 = arith.constant 196 : i32
    %dma_wait3A_60 = arith.constant 0 : i32
    %dma_wait3A_61 = arith.constant 0 : i32
    %dma_wait3A_62 = arith.constant 0 : i32
    %dma_wait3A_63 = tpu.memref_slice %arg5[%dma_wait3A_59, %dma_wait3A_60, %add3A, %dma_wait3A_61, %dma_wait3A_62] : memref<200x8x32x8x128xf32, #tpu.memory_space<hbm>> -> memref<2x8x1x8x128xf32, #tpu.memory_space<hbm>>
    %dma_wait3A_64 = tpu.memref_squeeze %dma_wait3A_63 : memref<2x8x1x8x128xf32, #tpu.memory_space<hbm>> -> memref<2x8x8x128xf32, #tpu.memory_space<hbm>>
    %dma_wait3A_65 = arith.constant 196 : i32
    %dma_wait3A_66 = arith.constant 0 : i32
    %dma_wait3A_67 = arith.constant 0 : i32
    %dma_wait3A_68 = arith.constant 0 : i32
    %dma_wait3A_69 = tpu.memref_slice %arg5[%dma_wait3A_65, %dma_wait3A_66, %add3A, %dma_wait3A_67, %dma_wait3A_68] : memref<200x8x32x8x128xf32, #tpu.memory_space<hbm>> -> memref<2x8x1x8x128xf32, #tpu.memory_space<hbm>>
    %dma_wait3A_70 = tpu.memref_squeeze %dma_wait3A_69 : memref<2x8x1x8x128xf32, #tpu.memory_space<hbm>> -> memref<2x8x8x128xf32, #tpu.memory_space<hbm>>
    %dma_wait3A_71 = arith.constant 0 : i32
    %dma_wait3A_72 = arith.constant 0 : i32
    %dma_wait3A_73 = arith.constant 0 : i32
    %dma_wait3A_74 = arith.constant 0 : i32
    %dma_wait3A_75 = tpu.memref_slice %arg10[%dma_wait3A_71, %dma_wait3A_72, %dma_wait3A_73, %dma_wait3A_74] : memref<2x8x8x133xf32, #tpu.memory_space<vmem>> -> memref<2x8x8x128xf32, #tpu.memory_space<vmem>>
    tpu.wait_dma2 semaphore(%arg14 : memref<!tpu.dma_semaphore, #tpu.memory_space<semaphore_mem>>) src(%dma_wait3A_75 : memref<2x8x8x128xf32, #tpu.memory_space<vmem>>) dst(%dma_wait3A_70 : memref<2x8x8x128xf32, #tpu.memory_space<hbm>>)
    %dma_wait3A_76 = arith.constant 0 : i32
    %dma_wait3A_77 = arith.constant 0 : i32
    %dma_wait3A_78 = arith.constant 0 : i32
    %dma_wait3A_79 = arith.constant 0 : i32
    %dma_wait3A_80 = tpu.memref_slice %arg11[%dma_wait3A_76, %dma_wait3A_77, %dma_wait3A_78, %dma_wait3A_79] : memref<2x8x8x133xf32, #tpu.memory_space<vmem>> -> memref<2x8x8x128xf32, #tpu.memory_space<vmem>>
    %dma_wait3A_81 = arith.constant 198 : i32
    %dma_wait3A_82 = arith.constant 0 : i32
    %dma_wait3A_83 = arith.constant 0 : i32
    %dma_wait3A_84 = arith.constant 0 : i32
    %dma_wait3A_85 = tpu.memref_slice %arg5[%dma_wait3A_81, %dma_wait3A_82, %add3A, %dma_wait3A_83, %dma_wait3A_84] : memref<200x8x32x8x128xf32, #tpu.memory_space<hbm>> -> memref<2x8x1x8x128xf32, #tpu.memory_space<hbm>>
    %dma_wait3A_86 = tpu.memref_squeeze %dma_wait3A_85 : memref<2x8x1x8x128xf32, #tpu.memory_space<hbm>> -> memref<2x8x8x128xf32, #tpu.memory_space<hbm>>
    %dma_wait3A_87 = arith.constant 198 : i32
    %dma_wait3A_88 = arith.constant 0 : i32
    %dma_wait3A_89 = arith.constant 0 : i32
    %dma_wait3A_90 = arith.constant 0 : i32
    %dma_wait3A_91 = tpu.memref_slice %arg5[%dma_wait3A_87, %dma_wait3A_88, %add3A, %dma_wait3A_89, %dma_wait3A_90] : memref<200x8x32x8x128xf32, #tpu.memory_space<hbm>> -> memref<2x8x1x8x128xf32, #tpu.memory_space<hbm>>
    %dma_wait3A_92 = tpu.memref_squeeze %dma_wait3A_91 : memref<2x8x1x8x128xf32, #tpu.memory_space<hbm>> -> memref<2x8x8x128xf32, #tpu.memory_space<hbm>>
    %dma_wait3A_93 = arith.constant 0 : i32
    %dma_wait3A_94 = arith.constant 0 : i32
    %dma_wait3A_95 = arith.constant 0 : i32
    %dma_wait3A_96 = arith.constant 0 : i32
    %dma_wait3A_97 = tpu.memref_slice %arg11[%dma_wait3A_93, %dma_wait3A_94, %dma_wait3A_95, %dma_wait3A_96] : memref<2x8x8x133xf32, #tpu.memory_space<vmem>> -> memref<2x8x8x128xf32, #tpu.memory_space<vmem>>
    tpu.wait_dma2 semaphore(%arg15 : memref<!tpu.dma_semaphore, #tpu.memory_space<semaphore_mem>>) src(%dma_wait3A_97 : memref<2x8x8x128xf32, #tpu.memory_space<vmem>>) dst(%dma_wait3A_92 : memref<2x8x8x128xf32, #tpu.memory_space<hbm>>)
    return
  }
}

</mosaic_0001>

<sc_bundles>
// kernel: kernel.3.cloned.1.call-start
scs
__scs_entry_jumppad:
0x0: {  	(pc) =	sbr.rel $0x88, $3  }
0x1: {  	(tag) =	ssettag $0x0;
	lr =	simm.s32 $0x1  }
0x2: {  	[smem:$0x3F9E] =	sst lr;
	_ =	strace $0xD0000000  }
0x3: {  	_ = 	snop  }
0x4: {  	_ = 	snop  }
0x5: {  	_ = 	snop  }
0x6: {  	_ = 	snop  }
0x7: {  	_ = 	snop  }
__scs_overlays_trampoline_lowered:
0x8: {  	[smem:$0x3FAD] =	sst s0  }
0x9: {  	[smem:$0x3FAE] =	sst s1  }
0xa: {  	[smem:$0x3FAF] =	sst s2  }
0xb: {  	[smem:$0x3FB0] =	sst s3  }
0xc: {  	[smem:$0x3FB1] =	sst s4  }
0xd: {  	[smem:$0x3FB2] =	sst s5  }
0xe: {  	[smem:$0x3FB3] =	sst s6  }
0xf: {  	[smem:$0x3FB4] =	sst s7  }
0x10: {  	[smem:$0x3FB5] =	sst s8  }
0x11: {  	[smem:$0x3FB6] =	sst s9;
	s0 =	simm.s32 @!p0 $0x0  }
0x12: {  	s1 =	sld [smem:$0x3F9C];
	s0 =	simm.s32 @p0 $0x1  }
0x13: {  	[smem:$0x3FB7] =	sst s0;
	s0 =	simm.s32 @!p1 $0x0  }
0x14: {  	s2 =	sld [smem:$0x3F9B];
	s0 =	simm.s32 @p1 $0x1  }
0x15: {  	[smem:$0x3FB8] =	sst s0;
	s0 =	simm.s32 @!p2 $0x0  }
0x16: {  	s3 =	sld [smem:$0x3FDB];
	s0 =	simm.s32 @p2 $0x1  }
0x17: {  	s4 =	simm.s32 $0x1BF5;
	[smem:$0x3FBA] =	sst s0  }
0x18: {  	s0 =	sld [smem:$0x3F9D];
	_ =	swait.ge [sflag:s4], $0x0  }
0x19: {  	s7 =	sld [smem:$0x3F9E]  }
0x1a: {  	s8 =	sadd.s32 $0xFFFFE003, lr  }
0x1b: {  	s9 =	sadd.s32 $0xFFFFFEF7, lr;
	s5 =	simm.s32 $0xFFFFFFFF;
	p2 =	slt.u32 s8, $0xFFFFF086  }
0x1c: {  	p1 =	slt.u32 s9, $0xF7A;
	s5 =	simm.s32 @!p2 $0x0  }
0x1d: {  	s5 =	simm.s32 @p1 $0x1;
	p0 =	seq.s32 s7, s2  }
0x1e: {  	s7 =	smul.u32 @!p0 $0xF7A, s2;
	p2 =	seq.s32 @!p0 s5, $0x0  }
0x1f: {  	s9 =	smul.u32 $0xF7A, s1;
	s8 =	simm.s32 @!p0 $0x1BF5;
	p2 =	por !p2, p0  }
0x20: {  	[sflag:s8] =	ssyncset.s32 @!p0 $0xFFFFF086;
	s6 =	sadd.s32 @!p0 s3, s7;
	s7 =	simm.s32 @!p0 $0x108  }
0x21: {  	s3 =	sadd.s32 s3, s9;
	s6 =	sadd.s32 @!p0 $0x88, s6;
	s7 =	simm.s32 @p2 $0x1082  }
0x22: {  	[simem:s7], [sflag:s8] =	dma.local @!p0 [hbm:s6], $0xF7A  }
0x23: {  	s9 =	sor.u32 $0xD0000000, s2;
	s6 =	simm.s32 $0x108;
	_ =	swait.ge @!p0 [sflag:s8], $0x0  }
0x24: {  	s3 =	sadd.s32 $0x88, s3;
	s6 =	simm.s32 @!p1 $0x1082;
	[sflag:s4] =	ssyncset.s32 $0xFFFFF086  }
0x25: {  	[simem:s6], [sflag:s4] =	dma.local [hbm:s3], $0xF7A  }
0x26: {  	[smem:$0x3F9E] =	sst s1;
	(tag) =	ssettag s2;
	_ =	strace s9  }
0x27: {  	s1 =	sld [smem:$0x3FAE]  }
0x28: {  	s2 =	sld [smem:$0x3FAF]  }
0x29: {  	s4 =	sld [smem:$0x3FB1]  }
0x2a: {  	p0 =	seq.s32 s5, $0x0;
	s5 =	sld [smem:$0x3FB2]  }
0x2b: {  	s6 =	sld [smem:$0x3FB3]  }
0x2c: {  	s7 =	sld [smem:$0x3FB4]  }
0x2d: {  	s3 =	simm.s32 $0x108;
	s8 =	sld [smem:$0x3FB5]  }
0x2e: {  	s3 =	simm.s32 @!p0 $0x1082;
	s9 =	sld [smem:$0x3FB6]  }
0x2f: {  	lr =	sadd.s32 s0, s3;
	s0 =	sld [smem:$0x3FAD]  }
0x30: {  	s3 =	sld [smem:$0x3FB0]  }
0x31: {  	[smem:$0x3FB9] =	sst s10  }
0x32: {  	s10 =	sld [smem:$0x3FB7];
	_ =	sdelay $0x3  }
0x33: {  	p0 =	seq.s32 s10, $0x1;
	s10 =	sld [smem:$0x3FB9];
	_ =	sdelay $0x3  }
0x34: {  	[smem:$0x3FB9] =	sst s10  }
0x35: {  	s10 =	sld [smem:$0x3FB8];
	_ =	sdelay $0x3  }
0x36: {  	p1 =	seq.s32 s10, $0x1;
	s10 =	sld [smem:$0x3FB9];
	_ =	sdelay $0x3  }
0x37: {  	[smem:$0x3FB9] =	sst s10  }
0x38: {  	s10 =	sld [smem:$0x3FBA]  }
0x39: {  	_ = 	snop;
	(pc) =	sbr.ind lr, $3  }
0x3a: {  	_ = 	snop  }
0x3b: {  	_ = 	snop  }
0x3c: {  	p2 =	seq.s32 s10, $0x1;
	s10 =	sld [smem:$0x3FB9]  }
0x3d: {  	_ =	shalt  }
0x3e: {  	_ =	shalt  }
0x3f: {  	_ =	shalt  }
0x40: {  	_ =	shalt  }
0x41: {  	_ =	shalt  }
0x42: {  	_ =	shalt  }
0x43: {  	_ =	shalt  }
0x44: {  	_ =	shalt  }
0x45: {  	_ =	shalt  }
0x46: {  	_ =	shalt  }
0x47: {  	_ =	shalt  }
0x48: {  	_ =	shalt  }
0x49: {  	_ =	shalt  }
0x4a: {  	_ =	shalt  }
0x4b: {  	_ =	shalt  }
0x4c: {  	_ =	shalt  }
0x4d: {  	_ =	shalt  }
0x4e: {  	_ =	shalt  }
0x4f: {  	_ =	shalt  }
0x50: {  	_ =	shalt  }
0x51: {  	_ =	shalt  }
0x52: {  	_ =	shalt  }
0x53: {  	_ =	shalt  }
0x54: {  	_ =	shalt  }
0x55: {  	_ =	shalt  }
0x56: {  	_ =	shalt  }
0x57: {  	_ =	shalt  }
0x58: {  	_ =	shalt  }
0x59: {  	_ =	shalt  }
0x5a: {  	_ =	shalt  }
0x5b: {  	_ =	shalt  }
0x5c: {  	_ =	shalt  }
0x5d: {  	_ =	shalt  }
0x5e: {  	_ =	shalt  }
0x5f: {  	_ =	shalt  }
0x60: {  	_ =	shalt  }
0x61: {  	_ =	shalt  }
0x62: {  	_ =	shalt  }
0x63: {  	_ =	shalt  }
0x64: {  	_ =	shalt  }
0x65: {  	_ =	shalt  }
0x66: {  	_ =	shalt  }
0x67: {  	_ =	shalt  }
0x68: {  	_ =	shalt  }
0x69: {  	_ =	shalt  }
0x6a: {  	_ =	shalt  }
0x6b: {  	_ =	shalt  }
0x6c: {  	_ =	shalt  }
0x6d: {  	_ =	shalt  }
0x6e: {  	_ =	shalt  }
0x6f: {  	_ =	shalt  }
0x70: {  	_ =	shalt  }
0x71: {  	_ =	shalt  }
0x72: {  	_ =	shalt  }
0x73: {  	_ =	shalt  }
0x74: {  	_ =	shalt  }
0x75: {  	_ =	shalt  }
0x76: {  	_ =	shalt  }
0x77: {  	_ =	shalt  }
0x78: {  	_ =	shalt  }
0x79: {  	_ =	shalt  }
0x7a: {  	_ =	shalt  }
0x7b: {  	_ =	shalt  }
0x7c: {  	_ =	shalt  }
0x7d: {  	_ =	shalt  }
0x7e: {  	_ =	shalt  }
0x7f: {  	_ =	shalt  }
0x80: {  	_ =	shalt  }
0x81: {  	_ =	shalt  }
0x82: {  	_ =	shalt  }
0x83: {  	_ =	shalt  }
0x84: {  	_ =	shalt  }
0x85: {  	_ =	shalt  }
0x86: {  	_ =	shalt  }
0x87: {  	_ =	shalt  }
.Lfunc_end0:
.L_simem_size_0:
called_computation_lowered:
.L_overlay_start_0:
0x88: {  	s2 =	sld [smem:$0x3FD9]  }
0x89: {  	s3 =	sld [smem:$0x3FFE];
	_ =	sdelay $0x1  }
0x8a: {  	s1 =	srdreg.scid  }
0x8b: {  	s0 =	sand.u32 $0x1, s1  }
0x8c: {  	s17 =	sshll.u32 s0, $0xA;
	s2 =	sadd.s32 s3, s2  }
0x8d: {  	s2 =	sadd.s32 s2, s17  }
0x8e: {  	[smem:$0x3FC5] =	sst s2  }
0x8f: {  	_ = 	snop  }
0x90: {  	s2 =	sld [smem:$0x3FD0];
	(tm) =	ssettm $0x1  }
0x91: {  	s18 =	sld [smem:$0x3FFB];
	_ =	sdelay $0x3  }
0x92: {  	_ =	strace s18  }
0x93: {  	s3 =	sld [smem:$0x3FFC];
	_ =	sdelay $0x3  }
0x94: {  	_ =	strace s3  }
0x95: {  	s3 =	sld [smem:$0x3FFD];
	_ =	sdelay $0x3  }
0x96: {  	_ =	strace s3  }
0x97: {  	_ =	strace $0x8FFFFFFF  }
0x98: {  	s19 =	sld [smem:$0x3FDB];
	_ =	sdelay $0x1  }
0x99: {  	s4 =	simm.s32 $_scs_section_size  }
0x9a: {  	s5 =	simm.s32 $_size__tile_overlayer_lowered;
	s6 =	simm.s32 $_tile_overlayer_lowered  }
0x9b: {  	s22 =	simm.s32 $0x1BFF;
	s21 =	sshll.u32 s6, $0x1;
	s3 =	sadd.s32 s4, s19  }
0x9c: {  	s7 =	simm.s32 $0x0;
	s20 =	sshll.u32 s5, $0x1;
	s5 =	sadd.s32 s21, s3  }
0x9d: {  	[timem:s7], [sflag:s22] =	dma.local [hbm:s5], s20  }
0x9e: {  	_ =	swait.ge [sflag:s22], s20  }
0x9f: {  	s4 =	ssub.s32 $0x0, s20;
	[sflag:s22] =	ssyncset.done $0x0  }
0xa0: {  	[sflag:s22] =	ssyncadd.s32 s4;
	_ =	sdelay $0x1  }
0xa1: {  	s23 =	simm.s32 $0x1B8B  }
0xa2: {  	_ =	swait.ge [sflag:s23], $0x1  }
0xa3: {  	[sflag:s23] =	ssyncset.done $0x0  }
0xa4: {  	s25 =	simm.s32 $0x1B8E;
	s24 =	sld [smem:$0x3FFE];
	[sflag:s23] =	ssyncadd.s32 $0xFFFFFFFF  }
0xa5: {  	s26 =	simm.s32 $execute0_lowered;
	[smem:$0x3FD2] =	sst s25  }
0xa6: {  	s5 =	sshll.u32 s26, $0x1;
	_ =	strace $0x80000046;
	[dreg:$0x1] =	wrdreg $0xFFFFFFFF  }
0xa7: {  	s28 =	simm.s32 $_size_execute0_lowered;
	s3 =	sadd.s32 s3, s5;
	[dreg:$0x0] =	wrdreg $0x0  }
0xa8: {  	s5 =	sshll.u32 s28, $0x1;
	[dreg:$0x2] =	wrdreg s3  }
0xa9: {  	[dreg:$0x3] =	wrdreg s5  }
0xaa: {  	[dreg:$0x4] =	wrdreg $0xC0  }
0xab: {  	_ =	task [dreg:s7], $0x5FFFF  }
0xac: {  	[dreg:$0x1] =	wrdreg $0xFFFFFFFF  }
0xad: {  	[dreg:$0x0] =	wrdreg $0x60  }
0xae: {  	[dreg:$0x2] =	wrdreg s24  }
0xaf: {  	[dreg:$0x3] =	wrdreg s2  }
0xb0: {  	[dreg:$0x4] =	wrdreg $0x9  }
0xb1: {  	_ =	task.clear_ibuf [dreg:s7], $0x5FFFF;
	_ =	strace $0x90000046  }
0xb2: {  	s29 =	simm.s32 $0x9;
	_ =	strace $0x80000048  }
0xb3: {  	_ =	swait.ge [sflag:s29], $0x1  }
0xb4: {  	[sflag:s29] =	ssyncadd.s32 $0xFFFFFFFF  }
0xb5: {  	_ =	strace $0x90000048  }
0xb6: {  	_ =	sfence  }
0xb7: {  	s30 =	sld [smem:$0x0];
	_ =	sdelay $0x2  }
0xb8: {  	s31 =	sshll.u32 s1, $0xD;
	s1 =	sshrl.u32 s1, $0x2  }
0xb9: {  	s3 =	sand.u32 $0x4000, s31;
	s1 =	sadd.s32 s1, s30  }
0xba: {  	s0 =	sor.u32 s3, s0;
	s1 =	sshll.u32 s1, $0x11  }
0xbb: {  	s0 =	sor.u32 s1, s0  }
0xbc: {  	s0 =	sadd.s32 $0x8F2B, s0  }
0xbd: {  	[sflag:s0] =	ssyncadd.remote.s32 $0x1  }
0xbe: {  	_ =	sfence.sel $0xFFFF  }
0xbf: {  	[dreg:$0x0] =	wrdreg $0xFFFFFFFF;
	(pc) =	sbr.abs _section_cstart, $3  }
0xc0: {  	[dreg:$0x1] =	wrdreg $0xFFFFFFFF  }
0xc1: {  	_ =	task.clear_ibuf [dreg:s7], $0x2FFFF;
	_ =	strace $0x9FFFFFFF  }
0xc2: {  	(tm) =	ssettm $0x7FFFFFFF  }
0xc3: {  	_ =	shalt  }
tec
execute0_lowered:
.L_overlay_start_1:
0x0: {  	(tag) =	ssettag $0x1  }
0x1: {  	s5 =	rddreg [dreg:$0x0];
	s1 =	srdreg.scid  }
0x2: {  	s0 =	stileid.u32;
	s2 =	rddreg [dreg:$0x1]  }
0x3: {  	s3 =	simm.s32 $0x0;
	s10 =	simm.s32 $0x6400;
	s11 =	simm.s32 $0x100  }
0x4: {  	s12 =	simm.s32 $0x9600;
	s13 =	simm.s32 $0xD600;
	s14 =	simm.s32 $0x1  }
0x5: {  	s15 =	simm.s32 $0x11600;
	s16 =	simm.s32 $0x2;
	s17 =	simm.s32 $0x4  }
0x6: {  	s18 =	simm.s32 $0x15A00;
	s19 =	simm.s32 $0x3;
	s20 =	simm.s32 $0x0  }
0x7: {  	s4 =	sand.u32 $0x1, s1;
	s6 =	sshll.u32 s0, $0x1;
	s1 =	rddreg [dreg:$0x2]  }
.Ltmp0:
0x8: {  	[smem:$0x7FF] =	sst s3;
	s7 =	sor.u32 s4, s6;
	(pc) =	sbr.rel .LBB2_1-.Ltmp0, $4  }
0x9: {  	v0 =	vlaneseq.u32;
	s8 =	ssub.s32 $0x2, s4;
	_ =	strace $0x80000047;
	s6 =	smul.u32 $0xC80, s7  }
0xa: {  	v0 =	vmul.u32 $0x88, v0;
	s4 =	sadd.s32 $0xF42C00, s5;
	s9 =	sshrl.u32 s8, $0x1;
	s7 =	sshll.u32 s7, $0xA  }
0xb: {  	s8 =	ssub.s32 s8, s9;
	s9 =	simm.s32 $0x5;
	s6 =	sadd.s32 s6, s5  }
0xc: {  	v1 =	vadd.s32 $0x880, v0;
	v2 =	vadd.s32 $0x1100, v0;
	v3 =	vadd.s32 $0x1980, v0;
	s5 =	sadd.s32 $0x19800, s5;
	s8 =	smax.u32 s8, $0x1;
	s6 =	sadd.s32 $0x800, s6  }
.LBB2_16:
0xd: {  	s20 =	sadd.s32 $0x1, s20  }
0xe: {  	_ =	swait.ge [sflag:s19], $0x4000;
	p0 =	sne.s32 s20, s8  }
.Ltmp1:
0xf: {  	[sflag:s19] =	ssyncset.done $0x0;
	(pc) =	sbr.rel @!p0 .LBB2_17-.Ltmp1, $4  }
0x10: {  	[sflag:s19] =	ssyncadd.s32 $0xFFFFC000  }
0x11: {  	_ =	swait.ge [sflag:s17], $0x4000  }
0x12: {  	[sflag:s17] =	ssyncset.done $0x0  }
0x13: {  	[sflag:s17] =	ssyncadd.s32 $0xFFFFC000  }
.LBB2_1:
0x14: {  	[tilespmem:s3], [sflag:$0x5] =	stream.linear.gather [hbm4b:s6+s3], $0x6400, $0x38;
	[tilespmem:$0x19E00] =	vst v63  }
0x15: {  	_ =	swait.ge [sflag:s9], $0x6400  }
0x16: {  	[sflag:s9] =	ssyncset.done $0x0  }
0x17: {  	[sflag:s9] =	ssyncadd.s32 $0xFFFF9C00  }
0x18: {  	[tilespmem:s10], [sflag:$0x5] =	stream.linear.gather [hbm4b:s5+s3], $0x3200, $0x38;
	[tilespmem:$0x19E00] =	vst v63  }
0x19: {  	_ =	swait.ge [sflag:s9], $0x3200  }
0x1a: {  	[sflag:s9] =	ssyncset.done $0x0  }
0x1b: {  	[sflag:s9] =	ssyncadd.s32 $0xFFFFCE00  }
0x1c: {  	[tilespmem:s12], [sflag:$0x1] =	stream.indirect.gather [hbm4b:s4+s11], $0x40, s3, s11, $0xb8;
	[tilespmem:$0x19E00] =	vst v63  }
0x1d: {  	s21 =	simm.s32 $0x0  }
0x1e: {  	[tilespmem:s13], [sflag:$0x2] =	stream.indirect.gather [hbm4b:s4+s11], $0x40, s11, s11, $0xb8;
	[tilespmem:$0x19E00] =	vst v63  }
.LBB2_2:
0x1f: {  	_ =	swait.ge [sflag:s14], $0x4000  }
0x20: {  	p0 =	seq.s32 s21, $0x0;
	[sflag:s14] =	ssyncset.done $0x0  }
0x21: {  	s22 =	simm.s32 @!p0 $0x3;
	[sflag:s14] =	ssyncadd.s32 $0xFFFFC000  }
0x22: {  	_ =	swait.ge @!p0 [sflag:s22], $0x4000  }
0x23: {  	s23 =	sshll.u32 s21, $0x8;
	s25 =	simm.s32 $0x0;
	[sflag:s22] =	ssyncset.done @!p0 $0x0  }
0x24: {  	s23 =	sand.u32 $0x3FFFFF00, s23;
	v4 =	vmov s25;
	[sflag:s22] =	ssyncadd.s32 @!p0 $0xFFFFC000  }
0x25: {  	v6 =	vmul.u32 $0x2200, v4;
	v10 =	vld [tilespmem:s23+$0x6400]  }
0x26: {  	s25 =	simm.s32 $0x3;
	v7 =	vld [tilespmem:s23+$0x6410]  }
0x27: {  	v8 =	vmov s25;
	v12 =	vbroadcast v6, $0x0;
	v5 =	vld [tilespmem:s23+$0x6420]  }
0x28: {  	s26 =	simm.s32 $0x0;
	s24 =	simm.s32 $0x9680;
	v21 =	vand.u32 $0x78, v8;
	v11 =	vld [tilespmem:s23+$0x6440]  }
0x29: {  	v25 =	vand.u32 $0x7, v8;
	v6 =	vmov s26;
	v13 =	vadd.s32 v0, v12;
	v14 =	vld [tilespmem:s24+$0x40]  }
0x2a: {  	s30 =	simm.s32 $0x1;
	v15 =	vand.u32 $0x4, v6;
	v23 =	vand.u32 $0x78, v6;
	v17 =	vld [tilespmem:s24+$0xFFFFFF80];
	v6 =	vadd.s32 v21, v13  }
0x2b: {  	s31 =	simm.s32 $0x2;
	v16 =	vmov s30;
	v9 =	vld [tilespmem:s23+$0x6450];
	v8 =	vadd.s32 v23, v13;
	v19 =	vor.u32 v25, v6  }
0x2c: {  	p1 =	por $0x1, $0x1;
	v20 =	vmov s31;
	v26 =	vand.u32 $0x78, v16;
	v22 =	vld [tilespmem:s24+$0xFFFFFFC0];
	v24 =	vor.u32 v15, v8  }
0x2d: {  	v16 =	vand.u32 $0x5, v16;
	v27 =	vadd.s32 v26, v13;
	v8 =	vld [tilespmem:s23+$0x6460];
	v28 =	vpsel p1, v10, v11  }
0x2e: {  	v18 =	vand.u32 $0x78, v20;
	v4 =	vld [tilespmem:s23+$0x6430];
	v27 =	vor.u32 v16, v27;
	v14 =	vadd.f32 v14, v28  }
0x2f: {  	v20 =	vand.u32 $0x6, v20;
	v29 =	vld [tilespmem:s24+$0x0];
	v13 =	vadd.s32 v18, v13;
	p1 =	por p1, p1;
	v17 =	vadd.f32 v17, v28  }
0x30: {  	s30 =	simm.s32 $0x6;
	v6 =	vld [tilespmem:s23+$0x6470];
	v13 =	vor.u32 v20, v13;
	v32 =	vpsel p1, v7, v9;
	[tilespmem:v19+s15+$0x0] =	vst.idx.msk $0xffff, v14  }
0x31: {  	v34 =	vmov s30;
	v14 =	vadd.f32 v22, v28;
	[tilespmem:v24+s15+$0x0] =	vst.idx.msk $0xffff, v17;
	v17 =	vadd.s32 v1, v12;
	v19 =	vld [tilespmem:s24+$0x50]  }
0x32: {  	s26 =	simm.s32 $0x5;
	v37 =	vpsel p1, v5, v8;
	v24 =	vld [tilespmem:s24+$0xFFFFFF90];
	v22 =	vadd.s32 v21, v17;
	v30 =	vadd.s32 v23, v17  }
0x33: {  	v33 =	vmov s26;
	v31 =	vadd.s32 v26, v17;
	[tilespmem:v27+s15+$0x0] =	vst.idx.msk $0xffff, v14;
	v14 =	vor.u32 v25, v22  }
0x34: {  	s25 =	simm.s32 $0x4;
	v17 =	vadd.s32 v18, v17;
	v27 =	vadd.f32 v29, v28;
	v29 =	vor.u32 v15, v30;
	v28 =	vld [tilespmem:s24+$0xFFFFFFD0]  }
0x35: {  	v44 =	vpsel p1, v4, v6;
	v30 =	vmov s25;
	v35 =	vor.u32 v20, v17  }
0x36: {  	s25 =	simm.s32 $0x7;
	v22 =	vand.u32 $0x4, v30;
	[tilespmem:v13+s15+$0x0] =	vst.idx.msk $0xffff, v27;
	v13 =	vor.u32 v16, v31;
	v27 =	vadd.f32 v19, v32  }
0x37: {  	v51 =	vmov s25;
	v19 =	vand.u32 $0x78, v30;
	v30 =	vld [tilespmem:s24+$0x10];
	v31 =	vadd.f32 v24, v32  }
0x38: {  	v17 =	vand.u32 $0x6, v34;
	v40 =	vand.u32 $0x78, v51;
	v24 =	vand.u32 $0x5, v33;
	[tilespmem:v14+s15+$0x0] =	vst.idx.msk $0xffff, v27  }
0x39: {  	v14 =	vadd.f32 v28, v32;
	[tilespmem:v29+s15+$0x0] =	vst.idx.msk $0xffff, v31;
	v28 =	vadd.s32 v2, v12;
	v29 =	vand.u32 $0x78, v33;
	v31 =	vld [tilespmem:s24+$0x60]  }
0x3a: {  	s31 =	simm.s32 $0x0;
	v48 =	vld [tilespmem:s24+$0xFFFFFFA0];
	v27 =	vadd.s32 v21, v28;
	v36 =	vadd.s32 v23, v28;
	v50 =	vadd.s32 v26, v28  }
0x3b: {  	v28 =	vadd.s32 v18, v28;
	[tilespmem:v13+s15+$0x0] =	vst.idx.msk $0xffff, v14;
	v13 =	vmov s31;
	v14 =	vor.u32 v25, v27  }
0x3c: {  	v36 =	vor.u32 v15, v36;
	v30 =	vadd.f32 v30, v32;
	v13 =	vmul.u32 $0x2200, v13  }
0x3d: {  	v27 =	vand.u32 $0x78, v34;
	v34 =	vor.u32 v16, v50;
	v28 =	vor.u32 v20, v28  }
0x3e: {  	p2 =	por $0x1, $0x1;
	[tilespmem:v35+s15+$0x0] =	vst.idx.msk $0xffff, v30;
	v30 =	vbroadcast v13, $0x0;
	v35 =	vadd.s32 v3, v12;
	v13 =	vadd.f32 v31, v37  }
0x3f: {  	p5 =	por p2, p2;
	s22 =	simm.s32 $0x9780;
	v49 =	vld [tilespmem:s24+$0xFFFFFFE0];
	v33 =	vadd.f32 v48, v37;
	v21 =	vadd.s32 v21, v35;
	v23 =	vadd.s32 v23, v35  }
0x40: {  	v39 =	vld [tilespmem:s22+$0x40];
	v26 =	vadd.s32 v26, v35;
	v48 =	vpsel p5, v7, v9;
	v38 =	vadd.s32 v0, v30  }
0x41: {  	v32 =	vand.u32 $0x7, v51;
	v12 =	vld [tilespmem:s22+$0xFFFFFF80];
	v35 =	vadd.s32 v18, v35;
	[tilespmem:v14+s15+$0x0] =	vst.idx.msk $0xffff, v13;
	v14 =	vadd.s32 v40, v38  }
0x42: {  	v41 =	vld [tilespmem:s22+$0xFFFFFFC0];
	v21 =	vor.u32 v25, v21;
	v53 =	vadd.s32 v19, v38;
	v14 =	vor.u32 v32, v14  }
0x43: {  	v43 =	vld [tilespmem:s22+$0x0];
	[tilespmem:v36+s15+$0x0] =	vst.idx.msk $0xffff, v33;
	v42 =	vadd.s32 v29, v38;
	v36 =	vor.u32 v22, v53  }
0x44: {  	v31 =	vld [tilespmem:s24+$0x20];
	v25 =	vpsel p2, v10, v11;
	v13 =	vadd.f32 v49, v37;
	v42 =	vor.u32 v24, v42  }
0x45: {  	s30 =	simm.s32 $0x9;
	v57 =	vadd.s32 v1, v30;
	v38 =	vadd.s32 v27, v38;
	v39 =	vadd.f32 v39, v25;
	v52 =	vld [tilespmem:s24+$0x70]  }
0x46: {  	v59 =	vmov s30;
	s31 =	simm.s32 $0xA;
	v38 =	vor.u32 v17, v38;
	v54 =	vld [tilespmem:s24+$0xFFFFFFB0];
	[tilespmem:v34+s15+$0x0] =	vst.idx.msk $0xffff, v13;
	v55 =	vadd.f32 v12, v25  }
0x47: {  	v61 =	vmov s31;
	v23 =	vor.u32 v15, v23;
	v56 =	vld [tilespmem:s24+$0xFFFFFFF0];
	[tilespmem:v14+s15+$0x0] =	vst.idx.msk $0xffff, v39;
	v14 =	vadd.f32 v41, v25  }
0x48: {  	v18 =	vand.u32 $0x78, v59;
	v45 =	vadd.s32 v19, v57;
	v47 =	vadd.s32 v29, v57;
	[tilespmem:v36+s15+$0x0] =	vst.idx.msk $0xffff, v55;
	v58 =	vld [tilespmem:s22+$0x50]  }
0x49: {  	v15 =	vand.u32 $0x6, v61;
	v62 =	vor.u32 v22, v45;
	v25 =	vadd.f32 v43, v25;
	v60 =	vld [tilespmem:s22+$0xFFFFFF90];
	[tilespmem:v42+s15+$0x0] =	vst.idx.msk $0xffff, v14  }
0x4a: {  	s26 =	simm.s32 $0x8;
	v63 =	vor.u32 v24, v47;
	v34 =	vadd.s32 v27, v57;
	v14 =	vadd.s32 v40, v57;
	v46 =	vld [tilespmem:s22+$0xFFFFFFD0]  }
0x4b: {  	v13 =	vmov s26;
	v31 =	vadd.f32 v31, v37;
	[tilespmem:v38+s15+$0x0] =	vst.idx.msk $0xffff, v25;
	v25 =	vor.u32 v32, v14  }
0x4c: {  	v12 =	vand.u32 $0x4, v13;
	v34 =	vor.u32 v17, v34;
	v33 =	vadd.f32 v52, v44;
	v52 =	vld [tilespmem:s22+$0x10]  }
0x4d: {  	s25 =	simm.s32 $0x0;
	v13 =	vand.u32 $0x78, v13;
	v37 =	vadd.s32 v3, v30;
	[tilespmem:v28+s15+$0x0] =	vst.idx.msk $0xffff, v31;
	v31 =	vadd.f32 v54, v44  }
0x4e: {  	v54 =	vadd.f32 v56, v44;
	[tilespmem:v21+s15+$0x0] =	vst.idx.msk $0xffff, v33;
	v21 =	vmov s25;
	v28 =	vadd.f32 v58, v48  }
0x4f: {  	[tilespmem:v23+s15+$0x0] =	vst.idx.msk $0xffff, v31;
	v14 =	vand.u32 $0x5, v59;
	v53 =	vadd.f32 v60, v48;
	v56 =	vadd.f32 v46, v48  }
0x50: {  	v21 =	vmul.u32 $0x2200, v21;
	[tilespmem:v25+s15+$0x0] =	vst.idx.msk $0xffff, v28;
	v25 =	vor.u32 v16, v26;
	v26 =	vadd.s32 v2, v30  }
0x51: {  	v55 =	vld [tilespmem:s24+$0x30];
	[tilespmem:v62+s15+$0x0] =	vst.idx.msk $0xffff, v53;
	v28 =	vadd.f32 v52, v48;
	v16 =	vand.u32 $0x78, v61;
	v52 =	vadd.s32 v40, v37  }
0x52: {  	v57 =	vld [tilespmem:s22+$0x60];
	v58 =	vadd.s32 v19, v26;
	v59 =	vadd.s32 v40, v26;
	v61 =	vadd.s32 v29, v26  }
0x53: {  	s26 =	simm.s32 $0xB;
	v21 =	vbroadcast v21, $0x0;
	v26 =	vadd.s32 v27, v26;
	[tilespmem:v63+s15+$0x0] =	vst.idx.msk $0xffff, v56;
	v42 =	vor.u32 v32, v59  }
0x54: {  	s24 =	simm.s32 $0x9880;
	v46 =	vmov s26;
	v38 =	vld [tilespmem:s22+$0xFFFFFFA0];
	[tilespmem:v34+s15+$0x0] =	vst.idx.msk $0xffff, v28;
	v62 =	vor.u32 v22, v58;
	v63 =	vpsel p5, v5, v8  }
0x55: {  	v51 =	vld [tilespmem:s24+$0xFFFFFF80];
	v45 =	vor.u32 v17, v26;
	v26 =	vor.u32 v20, v35;
	v20 =	vadd.s32 v0, v21  }
0x56: {  	v43 =	vor.u32 v24, v61;
	v28 =	vadd.f32 v55, v44;
	v60 =	vld [tilespmem:s22+$0xFFFFFFE0];
	v30 =	vadd.s32 v13, v20  }
0x57: {  	p6 =	por $0x1, $0x1;
	v32 =	vor.u32 v32, v52;
	v31 =	vld [tilespmem:s22+$0x20];
	v56 =	vor.u32 v12, v30;
	v23 =	vadd.f32 v57, v63  }
0x58: {  	v48 =	vld [tilespmem:s24+$0x40];
	v55 =	vpsel p6, v10, v11;
	v30 =	vpsel p5, v4, v6;
	[tilespmem:v25+s15+$0x0] =	vst.idx.msk $0xffff, v54;
	v25 =	vand.u32 $0x78, v46  }
0x59: {  	v53 =	vld [tilespmem:s24+$0xFFFFFFC0];
	v47 =	vadd.f32 v38, v63;
	v49 =	vadd.s32 v25, v20;
	[tilespmem:v42+s15+$0x0] =	vst.idx.msk $0xffff, v23;
	v23 =	vand.u32 $0x7, v46  }
0x5a: {  	v54 =	vadd.s32 v18, v20;
	v38 =	vadd.f32 v51, v55;
	v36 =	vor.u32 v23, v49  }
0x5b: {  	v20 =	vadd.s32 v16, v20;
	v57 =	vld [tilespmem:s24+$0x0];
	v33 =	vadd.f32 v60, v63;
	[tilespmem:v62+s15+$0x0] =	vst.idx.msk $0xffff, v47  }
0x5c: {  	v42 =	vor.u32 v14, v54;
	v31 =	vadd.f32 v31, v63;
	[tilespmem:v56+s15+$0x0] =	vst.idx.msk $0xffff, v38  }
0x5d: {  	s26 =	simm.s32 $0xC;
	v58 =	vor.u32 v15, v20;
	v20 =	vadd.f32 v48, v55;
	v50 =	vld [tilespmem:s22+$0x70];
	[tilespmem:v43+s15+$0x0] =	vst.idx.msk $0xffff, v33  }
0x5e: {  	s30 =	simm.s32 $0xD;
	v40 =	vadd.f32 v53, v55;
	v60 =	vmov s26;
	v34 =	vld [tilespmem:s22+$0xFFFFFFB0];
	v43 =	vadd.s32 v29, v37;
	[tilespmem:v45+s15+$0x0] =	vst.idx.msk $0xffff, v31  }
0x5f: {  	v63 =	vmov s30;
	v29 =	vadd.s32 v1, v21;
	v52 =	vld [tilespmem:s24+$0xFFFFFF90];
	v31 =	vadd.s32 v27, v37;
	[tilespmem:v36+s15+$0x0] =	vst.idx.msk $0xffff, v20  }
0x60: {  	v61 =	vadd.f32 v57, v55;
	v53 =	vadd.s32 v13, v29;
	v54 =	vadd.s32 v25, v29;
	v62 =	vld [tilespmem:s24+$0x50]  }
0x61: {  	s31 =	simm.s32 $0xE;
	v27 =	vand.u32 $0x78, v63;
	v41 =	vld [tilespmem:s22+$0xFFFFFFF0];
	v57 =	vadd.s32 v18, v29;
	v35 =	vor.u32 v24, v43;
	[tilespmem:v42+s15+$0x0] =	vst.idx.msk $0xffff, v40  }
0x62: {  	v55 =	vmov s31;
	[tilespmem:v58+s15+$0x0] =	vst.idx.msk $0xffff, v61;
	v40 =	vor.u32 v23, v54;
	v59 =	vadd.f32 v50, v30;
	v56 =	vld [tilespmem:s24+$0xFFFFFFD0]  }
0x63: {  	p1 =	por p6, p6;
	v39 =	vor.u32 v12, v53;
	v46 =	vor.u32 v14, v57;
	v58 =	vadd.s32 v16, v29;
	v47 =	vld [tilespmem:s24+$0x10]  }
0x64: {  	v36 =	vadd.s32 v19, v37;
	v20 =	vand.u32 $0x4, v60;
	[tilespmem:v32+s15+$0x0] =	vst.idx.msk $0xffff, v59;
	v59 =	vpsel p1, v7, v9  }
0x65: {  	v19 =	vand.u32 $0x78, v60;
	v49 =	vor.u32 v15, v58;
	v60 =	vadd.f32 v62, v59  }
0x66: {  	v34 =	vadd.f32 v34, v30;
	v36 =	vor.u32 v22, v36;
	v61 =	vadd.f32 v52, v59  }
0x67: {  	v24 =	vand.u32 $0x78, v55;
	v33 =	vadd.f32 v41, v30;
	v32 =	vld [tilespmem:s22+$0x30];
	v44 =	vadd.f32 v56, v59;
	[tilespmem:v40+s15+$0x0] =	vst.idx.msk $0xffff, v60  }
0x68: {  	v29 =	vand.u32 $0x5, v63;
	v41 =	vadd.s32 v2, v21;
	[tilespmem:v39+s15+$0x0] =	vst.idx.msk $0xffff, v61;
	v62 =	vadd.f32 v47, v59;
	v40 =	vld [tilespmem:s24+$0x60]  }
0x69: {  	s29 =	simm.s32 $0x0;
	v22 =	vand.u32 $0x6, v55;
	v42 =	vadd.s32 v13, v41;
	v63 =	vadd.s32 v25, v41;
	v39 =	vld [tilespmem:s24+$0xFFFFFFA0];
	[tilespmem:v46+s15+$0x0] =	vst.idx.msk $0xffff, v44  }
0x6a: {  	s28 =	simm.s32 $0x10;
	s25 =	simm.s32 $0x9880;
	s22 =	sshll.u32 s21, $0xB;
	v43 =	vadd.s32 v18, v41;
	v38 =	vor.u32 v23, v63;
	v44 =	vmov s29;
	v37 =	vld [tilespmem:s24+$0xFFFFFFE0];
	[tilespmem:v49+s15+$0x0] =	vst.idx.msk $0xffff, v62  }
.LBB2_3:
0x6b: {  	p2 =	slt.u32 s28, $0xFC;
	v44 =	vmul.u32 $0x2200, v44;
	v42 =	vor.u32 v12, v42;
	v45 =	vld [tilespmem:s24+$0x20];
	v41 =	vadd.s32 v16, v41;
	[tilespmem:v36+s15+$0x0] =	vst.idx.msk $0xffff, v34  }
0x6c: {  	v34 =	vpsel p1, v5, v8;
	v36 =	vor.u32 v14, v43;
	v43 =	vmovc v14;
	v41 =	vor.u32 v15, v41  }
0x6d: {  	s30 =	sadd.s32 $0x3, s26;
	v30 =	vadd.f32 v32, v30;
	s26 =	smov.u32 s28;
	v44 =	vbroadcast v44, $0x0;
	v40 =	vadd.f32 v40, v34;
	[tilespmem:v35+s15+$0x0] =	vst.idx.msk $0xffff, v33  }
0x6e: {  	s24 =	sadd.s32 $0x100, s24;
	v14 =	vmovc v29;
	v32 =	vmov s30;
	v33 =	vadd.f32 v39, v34;
	[tilespmem:v26+s15+$0x0] =	vst.idx.msk $0xffff, v28;
	v26 =	vor.u32 v17, v31  }
0x6f: {  	v31 =	vand.u32 $0x78, v32;
	v17 =	vadd.s32 v0, v44;
	v29 =	vld [tilespmem:s24+$0x40];
	v35 =	vadd.f32 v37, v34;
	[tilespmem:v38+s15+$0x0] =	vst.idx.msk $0xffff, v40  }
0x70: {  	v32 =	vand.u32 $0x7, v32;
	v47 =	vadd.s32 v31, v17;
	[tilespmem:v42+s15+$0x0] =	vst.idx.msk $0xffff, v33;
	v33 =	vadd.s32 v3, v21;
	v37 =	vld [tilespmem:s25+$0x70]  }
0x71: {  	v39 =	vadd.s32 v19, v17;
	v21 =	vmovc v44;
	v38 =	vld [tilespmem:s24+$0xFFFFFF80];
	v40 =	vor.u32 v32, v47;
	v49 =	vadd.s32 v25, v33  }
0x72: {  	p3 =	seq.s32 s29, $0x0;
	v28 =	vmovc v30;
	v44 =	vadd.s32 v27, v17;
	v17 =	vadd.s32 v24, v17;
	v42 =	vld [tilespmem:s24+$0xFFFFFFC0];
	v46 =	vor.u32 v23, v49  }
0x73: {  	v47 =	vpsel p3, v10, v11;
	v39 =	vor.u32 v20, v39;
	v44 =	vor.u32 v14, v44;
	v25 =	vmovc v31;
	v48 =	vld [tilespmem:s24+$0x0]  }
0x74: {  	v30 =	vpsel p1, v4, v6;
	p1 =	por p3, p3;
	v31 =	vor.u32 v22, v17;
	v23 =	vmovc v32;
	v29 =	vadd.f32 v29, v47;
	v49 =	vld [tilespmem:s25+$0xFFFFFFB0]  }
0x75: {  	v32 =	vadd.f32 v45, v34;
	v17 =	vmov v15;
	[tilespmem:v36+s15+$0x0] =	vst.idx.msk $0xffff, v35;
	v34 =	vadd.f32 v37, v30  }
0x76: {  	v15 =	vmov s28;
	v36 =	vadd.s32 v13, v33;
	v13 =	vmovc v19;
	v35 =	vadd.f32 v38, v47;
	[tilespmem:v40+s15+$0x0] =	vst.idx.msk $0xffff, v29;
	v37 =	vld [tilespmem:s25+$0xFFFFFFF0]  }
0x77: {  	v45 =	vand.u32 $0x4, v15;
	v38 =	vadd.s32 v18, v33;
	v29 =	vadd.f32 v42, v47;
	[tilespmem:v46+s15+$0x0] =	vst.idx.msk $0xffff, v34  }
0x78: {  	s29 =	sadd.s32 $0x1, s28;
	v19 =	vand.u32 $0x78, v15;
	v34 =	vadd.s32 v1, v21;
	[tilespmem:v39+s15+$0x0] =	vst.idx.msk $0xffff, v35;
	v48 =	vadd.f32 v48, v47;
	v35 =	vld [tilespmem:s24+$0x50]  }
0x79: {  	v15 =	vmovc v22;
	v39 =	vmov s29;
	s29 =	sadd.s32 $0x2, s28;
	v42 =	vadd.s32 v13, v34;
	v40 =	vld [tilespmem:s24+$0xFFFFFF90];
	[tilespmem:v44+s15+$0x0] =	vst.idx.msk $0xffff, v29;
	v29 =	vadd.s32 v25, v34  }
0x7a: {  	v18 =	vmovc v27;
	v22 =	vadd.s32 v27, v34;
	v44 =	vmov s29;
	v46 =	vld [tilespmem:s24+$0xFFFFFFD0];
	[tilespmem:v31+s15+$0x0] =	vst.idx.msk $0xffff, v48;
	v47 =	vor.u32 v23, v29  }
0x7b: {  	v42 =	vor.u32 v20, v42;
	v48 =	vor.u32 v14, v22;
	v22 =	vadd.s32 v24, v34;
	v50 =	vld [tilespmem:s24+$0x10]  }
0x7c: {  	v51 =	vpsel p1, v7, v9;
	v29 =	vand.u32 $0x5, v39;
	v52 =	vor.u32 v15, v22;
	[tilespmem:v41+s15+$0x0] =	vst.idx.msk $0xffff, v32  }
0x7d: {  	v34 =	vadd.f32 v49, v30;
	v31 =	vadd.s32 v16, v33;
	v16 =	vmovc v24;
	v27 =	vadd.f32 v35, v51;
	v32 =	vld [tilespmem:s25+$0x30];
	s25 =	smov.u32 s24  }
.Ltmp2:
0x7e: {  	v36 =	vor.u32 v12, v36;
	v12 =	vmovc v20;
	v33 =	vadd.f32 v37, v30;
	v24 =	vadd.f32 v40, v51;
	(pc) =	sbr.rel @p2 .LBB2_3-.Ltmp2, $4  }
0x7f: {  	v22 =	vand.u32 $0x6, v44;
	v35 =	vor.u32 v43, v38;
	v49 =	vadd.f32 v46, v51;
	[tilespmem:v47+s15+$0x0] =	vst.idx.msk $0xffff, v27  }
0x80: {  	v41 =	vadd.s32 v2, v21;
	v27 =	vand.u32 $0x78, v39;
	[tilespmem:v42+s15+$0x0] =	vst.idx.msk $0xffff, v24;
	v38 =	vadd.f32 v50, v51;
	v40 =	vld [tilespmem:s24+$0x60]  }
0x81: {  	s29 =	sshrl.u32 s28, $0x7;
	v46 =	vadd.s32 v25, v41;
	v24 =	vand.u32 $0x78, v44;
	v42 =	vadd.s32 v13, v41;
	v39 =	vld [tilespmem:s24+$0xFFFFFFA0];
	[tilespmem:v48+s15+$0x0] =	vst.idx.msk $0xffff, v49  }
0x82: {  	s28 =	sadd.s32 $0x4, s28;
	v20 =	vmovc v45;
	v43 =	vadd.s32 v18, v41;
	v44 =	vmov s29;
	v37 =	vld [tilespmem:s24+$0xFFFFFFE0];
	[tilespmem:v52+s15+$0x0] =	vst.idx.msk $0xffff, v38;
	v38 =	vor.u32 v23, v46  }
0x83: {  	v44 =	vmul.u32 $0x2200, v44  }
0x84: {  	v42 =	vor.u32 v12, v42;
	v41 =	vadd.s32 v16, v41;
	v45 =	vpsel p1, v5, v8  }
0x85: {  	v43 =	vor.u32 v14, v43;
	v30 =	vadd.f32 v32, v30;
	v17 =	vor.u32 v17, v31  }
0x86: {  	s26 =	sadd.s32 $0x3, s26;
	p2 =	seq.s32 s29, $0x0;
	v21 =	vadd.s32 v3, v21;
	v41 =	vor.u32 v15, v41;
	v44 =	vbroadcast v44, $0x0  }
0x87: {  	[tilespmem:v36+s15+$0x0] =	vst.idx.msk $0xffff, v34;
	s31 =	sadd.s32 $0x100, s24;
	v47 =	vmov s26;
	v10 =	vpsel p2, v10, v11;
	v25 =	vadd.s32 v25, v21  }
0x88: {  	[tilespmem:v35+s15+$0x0] =	vst.idx.msk $0xffff, v33;
	v50 =	vld [tilespmem:s31+$0x40];
	v48 =	vadd.f32 v39, v45;
	v39 =	vand.u32 $0x78, v47;
	v49 =	vadd.s32 v0, v44  }
0x89: {  	[tilespmem:v26+s15+$0x0] =	vst.idx.msk $0xffff, v28;
	v52 =	vld [tilespmem:s31+$0xFFFFFF80];
	v13 =	vadd.s32 v13, v21;
	v26 =	vand.u32 $0x7, v47;
	v51 =	vadd.s32 v39, v49  }
0x8a: {  	v55 =	vld [tilespmem:s31+$0xFFFFFFC0];
	v46 =	vadd.f32 v40, v45;
	v54 =	vadd.s32 v19, v49;
	v28 =	vor.u32 v26, v51  }
0x8b: {  	v58 =	vld [tilespmem:s31+$0x0];
	v53 =	vadd.f32 v37, v45;
	v56 =	vadd.s32 v27, v49;
	v37 =	vor.u32 v20, v54  }
0x8c: {  	[tilespmem:v38+s15+$0x0] =	vst.idx.msk $0xffff, v46;
	v59 =	vadd.s32 v24, v49;
	v57 =	vor.u32 v29, v56  }
0x8d: {  	[tilespmem:v42+s15+$0x0] =	vst.idx.msk $0xffff, v48;
	v60 =	vadd.f32 v50, v10;
	v34 =	vor.u32 v22, v59  }
0x8e: {  	p6 =	por p2, p2;
	v23 =	vor.u32 v23, v25;
	[tilespmem:v17+s15+$0x0] =	vst.idx.msk $0xffff, v30;
	v31 =	vadd.f32 v52, v10  }
0x8f: {  	v61 =	vld [tilespmem:s24+$0x20];
	v7 =	vpsel p6, v7, v9;
	v62 =	vadd.f32 v55, v10;
	[tilespmem:v28+s15+$0x0] =	vst.idx.msk $0xffff, v60  }
0x90: {  	v63 =	vadd.s32 v1, v44;
	v10 =	vadd.f32 v58, v10;
	[tilespmem:v37+s15+$0x0] =	vst.idx.msk $0xffff, v31;
	v35 =	vld [tilespmem:s31+$0x50]  }
0x91: {  	v5 =	vpsel p6, v5, v8;
	v42 =	vadd.s32 v39, v63;
	[tilespmem:v57+s15+$0x0] =	vst.idx.msk $0xffff, v62;
	v40 =	vld [tilespmem:s31+$0xFFFFFF90]  }
0x92: {  	v46 =	vadd.s32 v19, v63;
	v11 =	vor.u32 v26, v42;
	[tilespmem:v34+s15+$0x0] =	vst.idx.msk $0xffff, v10;
	v47 =	vld [tilespmem:s31+$0xFFFFFFD0]  }
0x93: {  	v48 =	vadd.s32 v27, v63;
	[tilespmem:v43+s15+$0x0] =	vst.idx.msk $0xffff, v53;
	v49 =	vor.u32 v20, v46;
	v52 =	vld [tilespmem:s31+$0x10]  }
0x94: {  	v38 =	vld [tilespmem:s25+$0x70];
	v51 =	vor.u32 v29, v48;
	v53 =	vadd.f32 v61, v45;
	v31 =	vadd.s32 v24, v63  }
0x95: {  	v58 =	vadd.s32 v2, v44;
	v54 =	vor.u32 v22, v31;
	v35 =	vadd.f32 v35, v7  }
0x96: {  	v43 =	vadd.s32 v16, v21;
	[tilespmem:v41+s15+$0x0] =	vst.idx.msk $0xffff, v53;
	v55 =	vadd.f32 v40, v7  }
0x97: {  	v56 =	vld [tilespmem:s25+$0xFFFFFFB0];
	v48 =	vadd.s32 v3, v44;
	v32 =	vadd.f32 v47, v7;
	[tilespmem:v11+s15+$0x0] =	vst.idx.msk $0xffff, v35  }
0x98: {  	v28 =	vpsel p1, v4, v6;
	v7 =	vadd.f32 v52, v7;
	[tilespmem:v49+s15+$0x0] =	vst.idx.msk $0xffff, v55;
	v59 =	vld [tilespmem:s31+$0x60]  }
0x99: {  	v60 =	vadd.s32 v39, v58;
	v50 =	vadd.f32 v38, v28;
	[tilespmem:v51+s15+$0x0] =	vst.idx.msk $0xffff, v32;
	v25 =	vld [tilespmem:s31+$0xFFFFFFA0]  }
0x9a: {  	v61 =	vadd.s32 v19, v58;
	v32 =	vor.u32 v26, v60;
	[tilespmem:v54+s15+$0x0] =	vst.idx.msk $0xffff, v7;
	v62 =	vld [tilespmem:s31+$0xFFFFFFE0]  }
0x9b: {  	v36 =	vadd.s32 v27, v58;
	v37 =	vor.u32 v20, v61;
	[tilespmem:v23+s15+$0x0] =	vst.idx.msk $0xffff, v50;
	v23 =	vld [tilespmem:s31+$0x20]  }
0x9c: {  	v41 =	vor.u32 v12, v13;
	v10 =	vadd.s32 v24, v58;
	v40 =	vor.u32 v29, v36  }
0x9d: {  	v53 =	vadd.s32 v19, v48;
	v10 =	vor.u32 v22, v10;
	v42 =	vadd.f32 v59, v5  }
0x9e: {  	v57 =	vadd.s32 v18, v21;
	v63 =	vld [tilespmem:s25+$0xFFFFFFF0];
	v4 =	vpsel p6, v4, v6;
	v45 =	vadd.f32 v25, v5  }
0x9f: {  	v38 =	vadd.f32 v56, v28;
	v55 =	vld [tilespmem:s25+$0x30];
	v46 =	vadd.f32 v62, v5;
	[tilespmem:v32+s15+$0x0] =	vst.idx.msk $0xffff, v42  }
0xa0: {  	v11 =	vor.u32 v14, v57;
	v5 =	vadd.f32 v23, v5;
	[tilespmem:v37+s15+$0x0] =	vst.idx.msk $0xffff, v45;
	v49 =	vld [tilespmem:s31+$0x70]  }
0xa1: {  	v50 =	vadd.s32 v39, v48;
	v59 =	vor.u32 v15, v43;
	[tilespmem:v40+s15+$0x0] =	vst.idx.msk $0xffff, v46;
	v51 =	vld [tilespmem:s31+$0xFFFFFFB0]  }
0xa2: {  	v56 =	vadd.s32 v27, v48;
	v52 =	vor.u32 v26, v50;
	[tilespmem:v10+s15+$0x0] =	vst.idx.msk $0xffff, v5;
	v54 =	vld [tilespmem:s31+$0xFFFFFFF0]  }
0xa3: {  	v58 =	vor.u32 v29, v56;
	v47 =	vadd.f32 v63, v28;
	v5 =	vor.u32 v20, v53;
	v57 =	vld [tilespmem:s31+$0x30]  }
0xa4: {  	[tilespmem:v41+s15+$0x0] =	vst.idx.msk $0xffff, v38;
	v7 =	vadd.s32 v24, v48;
	v63 =	vadd.f32 v55, v28  }
0xa5: {  	v7 =	vor.u32 v22, v7;
	[tilespmem:v11+s15+$0x0] =	vst.idx.msk $0xffff, v47;
	v60 =	vadd.f32 v49, v4  }
0xa6: {  	[tilespmem:v59+s15+$0x0] =	vst.idx.msk $0xffff, v63;
	v61 =	vadd.f32 v51, v4  }
0xa7: {  	s25 =	sshll.u32 s21, $0x14;
	v62 =	vadd.f32 v54, v4;
	[tilespmem:v52+s15+$0x0] =	vst.idx.msk $0xffff, v60  }
0xa8: {  	s24 =	sor.u32 s7, s25;
	v4 =	vadd.f32 v57, v4;
	[tilespmem:v5+s15+$0x0] =	vst.idx.msk $0xffff, v61  }
0xa9: {  	s24 =	sshrl.u32 s24, $0x3;
	[tilespmem:v58+s15+$0x0] =	vst.idx.msk $0xffff, v62  }
0xaa: {  	s26 =	simm.s32 $0x11600;
	s25 =	sadd.s32 s2, s24;
	[tilespmem:v7+s15+$0x0] =	vst.idx.msk $0xffff, v4  }
0xab: {  	[hbm4b:s25+s3] =	stream.linear.scatter [tilespmem:s26], [sflag:$0x3], $0x80, $0x38;
	[tilespmem:$0x19E00] =	vst v63  }
0xac: {  	s30 =	simm.s32 $0x11688;
	s31 =	sadd.s32 $0x10, s25  }
0xad: {  	[hbm4b:s31+s3] =	stream.linear.scatter [tilespmem:s30], [sflag:$0x3], $0x80, $0x38;
	[tilespmem:$0x19E00] =	vst v63  }
0xae: {  	s28 =	simm.s32 $0x119B8;
	s30 =	simm.s32 $0x11710;
	s31 =	sadd.s32 $0x20, s25  }
0xaf: {  	[hbm4b:s31+s3] =	stream.linear.scatter [tilespmem:s30], [sflag:$0x3], $0x80, $0x38;
	[tilespmem:$0x19E00] =	vst v63  }
0xb0: {  	s24 =	simm.s32 $0x440;
	s30 =	simm.s32 $0x11798;
	s31 =	sadd.s32 $0x30, s25  }
0xb1: {  	[hbm4b:s31+s3] =	stream.linear.scatter [tilespmem:s30], [sflag:$0x3], $0x80, $0x38;
	[tilespmem:$0x19E00] =	vst v63  }
0xb2: {  	s29 =	sadd.s32 $0x70, s25;
	s30 =	simm.s32 $0x11820;
	s31 =	sadd.s32 $0x40, s25  }
0xb3: {  	[hbm4b:s31+s3] =	stream.linear.scatter [tilespmem:s30], [sflag:$0x3], $0x80, $0x38;
	[tilespmem:$0x19E00] =	vst v63  }
0xb4: {  	s26 =	simm.s32 $0x2200;
	s30 =	simm.s32 $0x118A8;
	s31 =	sadd.s32 $0x50, s25  }
0xb5: {  	[hbm4b:s31+s3] =	stream.linear.scatter [tilespmem:s30], [sflag:$0x3], $0x80, $0x38;
	[tilespmem:$0x19E00] =	vst v63  }
0xb6: {  	s30 =	simm.s32 $0x11930;
	s31 =	sadd.s32 $0x60, s25;
	s25 =	sadd.s32 $0x1000, s25  }
0xb7: {  	[hbm4b:s31+s3] =	stream.linear.scatter [tilespmem:s30], [sflag:$0x3], $0x80, $0x38;
	[tilespmem:$0x19E00] =	vst v63  }
.LBB2_5:
0xb8: {  	[hbm4b:s29+s3] =	stream.linear.scatter [tilespmem:s28], [sflag:$0x3], $0x80, $0x38;
	[tilespmem:$0x19E00] =	vst v63  }
0xb9: {  	s28 =	smov.u32 s24;
	s24 =	smov.u32 s26  }
0xba: {  	s30 =	sadd.s32 $0x1100, s26;
	s24 =	sshra.s32 s24, $0x2;
	s29 =	sadd.s32 $0x11600, s28  }
0xbb: {  	[hbm4b:s25+s3] =	stream.linear.scatter [tilespmem:s29], [sflag:$0x3], $0x80, $0x38;
	[tilespmem:$0x19E00] =	vst v63  }
0xbc: {  	p1 =	sne.s32 s26, $0xFF00;
	s26 =	sadd.s32 $0x11688, s28;
	s29 =	sadd.s32 $0x10, s25  }
0xbd: {  	[hbm4b:s29+s3] =	stream.linear.scatter [tilespmem:s26], [sflag:$0x3], $0x80, $0x38;
	[tilespmem:$0x19E00] =	vst v63  }
0xbe: {  	s26 =	sadd.s32 $0x11710, s28;
	s29 =	sadd.s32 $0x20, s25  }
0xbf: {  	[hbm4b:s29+s3] =	stream.linear.scatter [tilespmem:s26], [sflag:$0x3], $0x80, $0x38;
	[tilespmem:$0x19E00] =	vst v63  }
0xc0: {  	s26 =	sadd.s32 $0x11798, s28;
	s29 =	sadd.s32 $0x30, s25  }
0xc1: {  	[hbm4b:s29+s3] =	stream.linear.scatter [tilespmem:s26], [sflag:$0x3], $0x80, $0x38;
	[tilespmem:$0x19E00] =	vst v63  }
0xc2: {  	s26 =	sadd.s32 $0x11820, s28;
	s29 =	sadd.s32 $0x40, s25  }
0xc3: {  	[hbm4b:s29+s3] =	stream.linear.scatter [tilespmem:s26], [sflag:$0x3], $0x80, $0x38;
	[tilespmem:$0x19E00] =	vst v63  }
.Ltmp3:
0xc4: {  	s26 =	sadd.s32 $0x118A8, s28;
	s29 =	sadd.s32 $0x50, s25;
	(pc) =	sbr.rel @p1 .LBB2_5-.Ltmp3, $4  }
0xc5: {  	[hbm4b:s29+s3] =	stream.linear.scatter [tilespmem:s26], [sflag:$0x3], $0x80, $0x38;
	[tilespmem:$0x19E00] =	vst v63  }
0xc6: {  	s26 =	sadd.s32 $0x11930, s28;
	s29 =	sadd.s32 $0x60, s25;
	s28 =	sadd.s32 $0x119B8, s28  }
0xc7: {  	[hbm4b:s29+s3] =	stream.linear.scatter [tilespmem:s26], [sflag:$0x3], $0x80, $0x38;
	[tilespmem:$0x19E00] =	vst v63  }
0xc8: {  	s29 =	sadd.s32 $0x70, s25;
	s25 =	sadd.s32 $0x1000, s25;
	s26 =	smov.u32 s30  }
0xc9: {  	[hbm4b:s29+s3] =	stream.linear.scatter [tilespmem:s28], [sflag:$0x3], $0x80, $0x38;
	[tilespmem:$0x19E00] =	vst v63  }
0xca: {  	s26 =	sadd.s32 $0x11600, s24  }
0xcb: {  	[hbm4b:s25+s3] =	stream.linear.scatter [tilespmem:s26], [sflag:$0x3], $0x80, $0x38;
	[tilespmem:$0x19E00] =	vst v63  }
0xcc: {  	s30 =	sadd.s32 $0x11688, s24;
	s31 =	sadd.s32 $0x10, s25  }
0xcd: {  	[hbm4b:s31+s3] =	stream.linear.scatter [tilespmem:s30], [sflag:$0x3], $0x80, $0x38;
	[tilespmem:$0x19E00] =	vst v63  }
0xce: {  	s29 =	sadd.s32 $0x11710, s24;
	s30 =	sadd.s32 $0x20, s25  }
0xcf: {  	[hbm4b:s30+s3] =	stream.linear.scatter [tilespmem:s29], [sflag:$0x3], $0x80, $0x38;
	[tilespmem:$0x19E00] =	vst v63  }
0xd0: {  	s31 =	sadd.s32 $0x11798, s24;
	s29 =	sadd.s32 $0x30, s25  }
0xd1: {  	[hbm4b:s29+s3] =	stream.linear.scatter [tilespmem:s31], [sflag:$0x3], $0x80, $0x38;
	[tilespmem:$0x19E00] =	vst v63  }
0xd2: {  	s30 =	sadd.s32 $0x11820, s24;
	s31 =	sadd.s32 $0x40, s25  }
0xd3: {  	[hbm4b:s31+s3] =	stream.linear.scatter [tilespmem:s30], [sflag:$0x3], $0x80, $0x38;
	[tilespmem:$0x19E00] =	vst v63  }
0xd4: {  	p1 =	sne.s32 s21, $0x31;
	s29 =	sadd.s32 $0x118A8, s24;
	s30 =	sadd.s32 $0x50, s25  }
0xd5: {  	[hbm4b:s30+s3] =	stream.linear.scatter [tilespmem:s29], [sflag:$0x3], $0x80, $0x38;
	[tilespmem:$0x19E00] =	vst v63  }
.Ltmp4:
0xd6: {  	_ = 	snop;
	(pc) =	sbr.rel @p1 .LBB2_8-.Ltmp4, $4  }
0xd7: {  	s31 =	sadd.s32 $0x11930, s24;
	s29 =	sadd.s32 $0x60, s25  }
0xd8: {  	[hbm4b:s29+s3] =	stream.linear.scatter [tilespmem:s31], [sflag:$0x3], $0x80, $0x38;
	[tilespmem:$0x19E00] =	vst v63  }
0xd9: {  	s30 =	sadd.s32 $0x119B8, s24;
	s31 =	sadd.s32 $0x70, s25  }
0xda: {  	[hbm4b:s31+s3] =	stream.linear.scatter [tilespmem:s30], [sflag:$0x3], $0x80, $0x38;
	[tilespmem:$0x19E00] =	vst v63  }
.Ltmp5:
0xdb: {  	(pc) =	sbr.rel .LBB2_9-.Ltmp5, $4  }
0xdc: {  	_ = 	snop  }
0xdd: {  	_ =	swait.ge [sflag:s16], $0x4000  }
0xde: {  	[sflag:s16] =	ssyncset.done $0x0  }
0xdf: {  	[sflag:s16] =	ssyncadd.s32 $0xFFFFC000  }
.LBB2_8:
0xe0: {  	s24 =	sshrl.u32 s22, $0x2  }
.Ltmp6:
0xe1: {  	s24 =	sadd.s32 $0x200, s24;
	(pc) =	sbr.rel @p0 .LBB2_10-.Ltmp6, $4  }
0xe2: {  	[tilespmem:s12], [sflag:$0x1] =	stream.indirect.gather [hbm4b:s4+s11], $0x40, s24, s11, $0xb8;
	[tilespmem:$0x19E00] =	vst v63  }
0xe3: {  	_ =	swait.ge [sflag:s16], $0x4000  }
0xe4: {  	[sflag:s16] =	ssyncset.done $0x0  }
0xe5: {  	[sflag:s16] =	ssyncadd.s32 $0xFFFFC000  }
.LBB2_9:
0xe6: {  	_ =	swait.ge [sflag:s17], $0x4000  }
0xe7: {  	[sflag:s17] =	ssyncset.done $0x0  }
0xe8: {  	[sflag:s17] =	ssyncadd.s32 $0xFFFFC000  }
.LBB2_10:
0xe9: {  	s26 =	simm.s32 $0x0  }
0xea: {  	s24 =	sshll.u32 s21, $0x2;
	v4 =	vmov s26  }
0xeb: {  	v11 =	vld [tilespmem:s23+$0x64C0];
	s24 =	sor.u32 $0x2, s24;
	v6 =	vmul.u32 $0x2200, v4  }
0xec: {  	s28 =	simm.s32 $0x3;
	v9 =	vld [tilespmem:s23+$0x64D0];
	s26 =	simm.s32 $0xD680;
	s25 =	sshll.u32 s24, $0x6  }
0xed: {  	v8 =	vmov s28;
	v14 =	vld [tilespmem:s26+$0x40];
	s25 =	sand.u32 $0x3FFFFF80, s25;
	v12 =	vbroadcast v6, $0x0  }
0xee: {  	s31 =	simm.s32 $0x0;
	v21 =	vand.u32 $0x78, v8;
	v10 =	vld [tilespmem:s25+$0x6400]  }
0xef: {  	v25 =	vand.u32 $0x7, v8;
	v17 =	vld [tilespmem:s26+$0xFFFFFF80];
	v6 =	vmov s31;
	v13 =	vadd.s32 v0, v12  }
0xf0: {  	s30 =	simm.s32 $0x1;
	v22 =	vld [tilespmem:s26+$0xFFFFFFC0];
	v15 =	vand.u32 $0x4, v6;
	v23 =	vand.u32 $0x78, v6;
	v6 =	vadd.s32 v21, v13  }
0xf1: {  	v16 =	vmov s30;
	v29 =	vld [tilespmem:s26+$0x0];
	v8 =	vadd.s32 v23, v13;
	v19 =	vor.u32 v25, v6  }
0xf2: {  	p0 =	por $0x1, $0x1;
	v26 =	vand.u32 $0x78, v16;
	v16 =	vand.u32 $0x5, v16;
	v7 =	vld [tilespmem:s25+$0x6410];
	s31 =	simm.s32 $0x2;
	v24 =	vor.u32 v15, v8  }
0xf3: {  	v5 =	vld [tilespmem:s25+$0x6420];
	v20 =	vmov s31;
	v27 =	vadd.s32 v26, v13;
	v28 =	vpsel p0, v10, v11  }
0xf4: {  	v4 =	vld [tilespmem:s25+$0x6430];
	v18 =	vand.u32 $0x78, v20;
	v27 =	vor.u32 v16, v27;
	v14 =	vadd.f32 v14, v28  }
0xf5: {  	v20 =	vand.u32 $0x6, v20;
	v13 =	vadd.s32 v18, v13;
	v8 =	vld [tilespmem:s23+$0x64E0];
	v17 =	vadd.f32 v17, v28  }
0xf6: {  	s30 =	simm.s32 $0x5;
	v6 =	vld [tilespmem:s23+$0x64F0];
	v13 =	vor.u32 v20, v13;
	[tilespmem:v19+s18+$0x0] =	vst.idx.msk $0xffff, v14  }
0xf7: {  	v33 =	vmov s30;
	s30 =	simm.s32 $0x7;
	v14 =	vadd.f32 v22, v28;
	[tilespmem:v24+s18+$0x0] =	vst.idx.msk $0xffff, v17;
	v17 =	vadd.s32 v1, v12;
	v19 =	vld [tilespmem:s26+$0x50]  }
0xf8: {  	v51 =	vmov s30;
	v24 =	vld [tilespmem:s26+$0xFFFFFF90];
	v22 =	vadd.s32 v21, v17  }
0xf9: {  	v40 =	vand.u32 $0x78, v51;
	p0 =	por p0, p0;
	v30 =	vadd.s32 v23, v17;
	[tilespmem:v27+s18+$0x0] =	vst.idx.msk $0xffff, v14;
	v14 =	vor.u32 v25, v22  }
0xfa: {  	v32 =	vpsel p0, v7, v9;
	v27 =	vadd.f32 v29, v28;
	v29 =	vor.u32 v15, v30;
	v28 =	vld [tilespmem:s26+$0xFFFFFFD0]  }
0xfb: {  	s25 =	simm.s32 $0x4;
	v37 =	vpsel p0, v5, v8;
	v31 =	vadd.s32 v26, v17;
	v17 =	vadd.s32 v18, v17  }
0xfc: {  	v30 =	vmov s25;
	[tilespmem:v13+s18+$0x0] =	vst.idx.msk $0xffff, v27;
	v13 =	vor.u32 v16, v31;
	v27 =	vadd.f32 v19, v32  }
0xfd: {  	s31 =	simm.s32 $0x6;
	v22 =	vand.u32 $0x4, v30;
	v19 =	vand.u32 $0x78, v30;
	v30 =	vld [tilespmem:s26+$0x10];
	v31 =	vadd.f32 v24, v32  }
0xfe: {  	v34 =	vmov s31;
	v44 =	vpsel p0, v4, v6;
	v35 =	vor.u32 v20, v17;
	[tilespmem:v14+s18+$0x0] =	vst.idx.msk $0xffff, v27  }
0xff: {  	v17 =	vand.u32 $0x6, v34;
	v14 =	vadd.f32 v28, v32;
	[tilespmem:v29+s18+$0x0] =	vst.idx.msk $0xffff, v31;
	v28 =	vadd.s32 v2, v12;
	v31 =	vld [tilespmem:s26+$0x60]  }
0x100: {  	s25 =	simm.s32 $0x0;
	v24 =	vand.u32 $0x5, v33;
	v29 =	vand.u32 $0x78, v33;
	v48 =	vld [tilespmem:s26+$0xFFFFFFA0];
	v27 =	vadd.s32 v21, v28  }
0x101: {  	v36 =	vadd.s32 v23, v28;
	v50 =	vadd.s32 v26, v28;
	[tilespmem:v13+s18+$0x0] =	vst.idx.msk $0xffff, v14;
	v13 =	vmov s25  }
0x102: {  	v28 =	vadd.s32 v18, v28;
	v30 =	vadd.f32 v30, v32;
	v13 =	vmul.u32 $0x2200, v13  }
0x103: {  	v14 =	vor.u32 v25, v27;
	v36 =	vor.u32 v15, v36;
	v27 =	vand.u32 $0x78, v34  }
0x104: {  	v34 =	vor.u32 v16, v50;
	v28 =	vor.u32 v20, v28;
	[tilespmem:v35+s18+$0x0] =	vst.idx.msk $0xffff, v30;
	v30 =	vbroadcast v13, $0x0  }
0x105: {  	p1 =	por $0x1, $0x1;
	v35 =	vadd.s32 v3, v12;
	v13 =	vadd.f32 v31, v37;
	v33 =	vadd.f32 v48, v37  }
0x106: {  	p5 =	por p1, p1;
	s25 =	simm.s32 $0xD780;
	v49 =	vld [tilespmem:s26+$0xFFFFFFE0];
	v21 =	vadd.s32 v21, v35;
	v23 =	vadd.s32 v23, v35;
	v26 =	vadd.s32 v26, v35  }
0x107: {  	v39 =	vld [tilespmem:s25+$0x40];
	v48 =	vpsel p5, v7, v9;
	v35 =	vadd.s32 v18, v35;
	v38 =	vadd.s32 v0, v30  }
0x108: {  	v32 =	vand.u32 $0x7, v51;
	v12 =	vld [tilespmem:s25+$0xFFFFFF80];
	v21 =	vor.u32 v25, v21;
	[tilespmem:v14+s18+$0x0] =	vst.idx.msk $0xffff, v13;
	v14 =	vadd.s32 v40, v38  }
0x109: {  	v41 =	vld [tilespmem:s25+$0xFFFFFFC0];
	v25 =	vpsel p1, v10, v11;
	v53 =	vadd.s32 v19, v38;
	v14 =	vor.u32 v32, v14  }
0x10a: {  	v43 =	vld [tilespmem:s25+$0x0];
	[tilespmem:v36+s18+$0x0] =	vst.idx.msk $0xffff, v33;
	v42 =	vadd.s32 v29, v38;
	v36 =	vor.u32 v22, v53  }
0x10b: {  	v31 =	vld [tilespmem:s26+$0x20];
	v57 =	vadd.s32 v1, v30;
	v13 =	vadd.f32 v49, v37;
	v42 =	vor.u32 v24, v42  }
0x10c: {  	v23 =	vor.u32 v15, v23;
	v38 =	vadd.s32 v27, v38;
	v39 =	vadd.f32 v39, v25;
	v52 =	vld [tilespmem:s26+$0x70]  }
0x10d: {  	s30 =	simm.s32 $0x9;
	v38 =	vor.u32 v17, v38;
	v54 =	vld [tilespmem:s26+$0xFFFFFFB0];
	[tilespmem:v34+s18+$0x0] =	vst.idx.msk $0xffff, v13;
	v55 =	vadd.f32 v12, v25  }
0x10e: {  	v59 =	vmov s30;
	v45 =	vadd.s32 v19, v57;
	v56 =	vld [tilespmem:s26+$0xFFFFFFF0];
	[tilespmem:v14+s18+$0x0] =	vst.idx.msk $0xffff, v39;
	v14 =	vadd.f32 v41, v25  }
0x10f: {  	s31 =	simm.s32 $0x8;
	v18 =	vand.u32 $0x78, v59;
	v47 =	vadd.s32 v29, v57;
	v62 =	vor.u32 v22, v45;
	[tilespmem:v36+s18+$0x0] =	vst.idx.msk $0xffff, v55;
	v58 =	vld [tilespmem:s25+$0x50]  }
0x110: {  	v63 =	vor.u32 v24, v47;
	v13 =	vmov s31;
	v25 =	vadd.f32 v43, v25;
	v60 =	vld [tilespmem:s25+$0xFFFFFF90];
	[tilespmem:v42+s18+$0x0] =	vst.idx.msk $0xffff, v14  }
0x111: {  	v34 =	vadd.s32 v27, v57;
	v31 =	vadd.f32 v31, v37;
	v14 =	vadd.s32 v40, v57;
	v46 =	vld [tilespmem:s25+$0xFFFFFFD0]  }
0x112: {  	s31 =	simm.s32 $0xA;
	v12 =	vand.u32 $0x4, v13;
	v13 =	vand.u32 $0x78, v13;
	[tilespmem:v38+s18+$0x0] =	vst.idx.msk $0xffff, v25;
	v25 =	vor.u32 v32, v14  }
0x113: {  	v61 =	vmov s31;
	v34 =	vor.u32 v17, v34;
	v33 =	vadd.f32 v52, v44;
	v52 =	vld [tilespmem:s25+$0x10]  }
0x114: {  	s30 =	simm.s32 $0x0;
	v37 =	vadd.s32 v3, v30;
	v15 =	vand.u32 $0x6, v61;
	[tilespmem:v28+s18+$0x0] =	vst.idx.msk $0xffff, v31;
	v31 =	vadd.f32 v54, v44  }
0x115: {  	v54 =	vadd.f32 v56, v44;
	[tilespmem:v21+s18+$0x0] =	vst.idx.msk $0xffff, v33;
	v21 =	vmov s30;
	v28 =	vadd.f32 v58, v48  }
0x116: {  	[tilespmem:v23+s18+$0x0] =	vst.idx.msk $0xffff, v31;
	v14 =	vand.u32 $0x5, v59;
	v53 =	vadd.f32 v60, v48;
	v56 =	vadd.f32 v46, v48  }
0x117: {  	v21 =	vmul.u32 $0x2200, v21;
	[tilespmem:v25+s18+$0x0] =	vst.idx.msk $0xffff, v28;
	v25 =	vor.u32 v16, v26;
	v26 =	vadd.s32 v2, v30  }
0x118: {  	v55 =	vld [tilespmem:s26+$0x30];
	[tilespmem:v62+s18+$0x0] =	vst.idx.msk $0xffff, v53;
	v28 =	vadd.f32 v52, v48;
	v16 =	vand.u32 $0x78, v61;
	v52 =	vadd.s32 v40, v37  }
0x119: {  	v57 =	vld [tilespmem:s25+$0x60];
	v58 =	vadd.s32 v19, v26;
	v59 =	vadd.s32 v40, v26;
	v61 =	vadd.s32 v29, v26  }
0x11a: {  	s31 =	simm.s32 $0xB;
	v21 =	vbroadcast v21, $0x0;
	v26 =	vadd.s32 v27, v26;
	[tilespmem:v63+s18+$0x0] =	vst.idx.msk $0xffff, v56;
	v42 =	vor.u32 v32, v59  }
0x11b: {  	s23 =	simm.s32 $0xD880;
	v46 =	vmov s31;
	v38 =	vld [tilespmem:s25+$0xFFFFFFA0];
	[tilespmem:v34+s18+$0x0] =	vst.idx.msk $0xffff, v28;
	v62 =	vor.u32 v22, v58;
	v63 =	vpsel p5, v5, v8  }
0x11c: {  	v51 =	vld [tilespmem:s23+$0xFFFFFF80];
	v45 =	vor.u32 v17, v26;
	v26 =	vor.u32 v20, v35;
	v20 =	vadd.s32 v0, v21  }
0x11d: {  	v43 =	vor.u32 v24, v61;
	v28 =	vadd.f32 v55, v44;
	v60 =	vld [tilespmem:s25+$0xFFFFFFE0];
	v30 =	vadd.s32 v13, v20  }
0x11e: {  	p6 =	por $0x1, $0x1;
	v32 =	vor.u32 v32, v52;
	v31 =	vld [tilespmem:s25+$0x20];
	v56 =	vor.u32 v12, v30;
	v23 =	vadd.f32 v57, v63  }
0x11f: {  	v48 =	vld [tilespmem:s23+$0x40];
	v55 =	vpsel p6, v10, v11;
	v30 =	vpsel p5, v4, v6;
	[tilespmem:v25+s18+$0x0] =	vst.idx.msk $0xffff, v54;
	v25 =	vand.u32 $0x78, v46  }
0x120: {  	v53 =	vld [tilespmem:s23+$0xFFFFFFC0];
	v47 =	vadd.f32 v38, v63;
	v49 =	vadd.s32 v25, v20;
	[tilespmem:v42+s18+$0x0] =	vst.idx.msk $0xffff, v23;
	v23 =	vand.u32 $0x7, v46  }
0x121: {  	v54 =	vadd.s32 v18, v20;
	v38 =	vadd.f32 v51, v55;
	v36 =	vor.u32 v23, v49  }
0x122: {  	v20 =	vadd.s32 v16, v20;
	v57 =	vld [tilespmem:s23+$0x0];
	v33 =	vadd.f32 v60, v63;
	[tilespmem:v62+s18+$0x0] =	vst.idx.msk $0xffff, v47  }
0x123: {  	v42 =	vor.u32 v14, v54;
	v31 =	vadd.f32 v31, v63;
	[tilespmem:v56+s18+$0x0] =	vst.idx.msk $0xffff, v38  }
0x124: {  	s26 =	simm.s32 $0xC;
	v58 =	vor.u32 v15, v20;
	v20 =	vadd.f32 v48, v55;
	v50 =	vld [tilespmem:s25+$0x70];
	[tilespmem:v43+s18+$0x0] =	vst.idx.msk $0xffff, v33  }
0x125: {  	s28 =	simm.s32 $0xD;
	v40 =	vadd.f32 v53, v55;
	v60 =	vmov s26;
	v34 =	vld [tilespmem:s25+$0xFFFFFFB0];
	v43 =	vadd.s32 v29, v37;
	[tilespmem:v45+s18+$0x0] =	vst.idx.msk $0xffff, v31  }
0x126: {  	v63 =	vmov s28;
	v29 =	vadd.s32 v1, v21;
	v52 =	vld [tilespmem:s23+$0xFFFFFF90];
	v31 =	vadd.s32 v27, v37;
	[tilespmem:v36+s18+$0x0] =	vst.idx.msk $0xffff, v20  }
0x127: {  	v61 =	vadd.f32 v57, v55;
	v53 =	vadd.s32 v13, v29;
	v54 =	vadd.s32 v25, v29;
	v62 =	vld [tilespmem:s23+$0x50]  }
0x128: {  	s28 =	simm.s32 $0xE;
	v27 =	vand.u32 $0x78, v63;
	v41 =	vld [tilespmem:s25+$0xFFFFFFF0];
	v57 =	vadd.s32 v18, v29;
	v35 =	vor.u32 v24, v43;
	[tilespmem:v42+s18+$0x0] =	vst.idx.msk $0xffff, v40  }
0x129: {  	v55 =	vmov s28;
	[tilespmem:v58+s18+$0x0] =	vst.idx.msk $0xffff, v61;
	v40 =	vor.u32 v23, v54;
	v59 =	vadd.f32 v50, v30;
	v56 =	vld [tilespmem:s23+$0xFFFFFFD0]  }
0x12a: {  	p0 =	por p6, p6;
	v39 =	vor.u32 v12, v53;
	v46 =	vor.u32 v14, v57;
	v58 =	vadd.s32 v16, v29;
	v47 =	vld [tilespmem:s23+$0x10]  }
0x12b: {  	v36 =	vadd.s32 v19, v37;
	v20 =	vand.u32 $0x4, v60;
	[tilespmem:v32+s18+$0x0] =	vst.idx.msk $0xffff, v59;
	v59 =	vpsel p0, v7, v9  }
0x12c: {  	v19 =	vand.u32 $0x78, v60;
	v49 =	vor.u32 v15, v58;
	v60 =	vadd.f32 v62, v59  }
0x12d: {  	v34 =	vadd.f32 v34, v30;
	v36 =	vor.u32 v22, v36;
	v61 =	vadd.f32 v52, v59  }
0x12e: {  	v24 =	vand.u32 $0x78, v55;
	v33 =	vadd.f32 v41, v30;
	v32 =	vld [tilespmem:s25+$0x30];
	v44 =	vadd.f32 v56, v59;
	[tilespmem:v40+s18+$0x0] =	vst.idx.msk $0xffff, v60  }
0x12f: {  	v29 =	vand.u32 $0x5, v63;
	v41 =	vadd.s32 v2, v21;
	[tilespmem:v39+s18+$0x0] =	vst.idx.msk $0xffff, v61;
	v62 =	vadd.f32 v47, v59;
	v40 =	vld [tilespmem:s23+$0x60]  }
0x130: {  	s29 =	simm.s32 $0x0;
	v22 =	vand.u32 $0x6, v55;
	v42 =	vadd.s32 v13, v41;
	v63 =	vadd.s32 v25, v41;
	v39 =	vld [tilespmem:s23+$0xFFFFFFA0];
	[tilespmem:v46+s18+$0x0] =	vst.idx.msk $0xffff, v44  }
0x131: {  	s28 =	simm.s32 $0x10;
	s25 =	simm.s32 $0xD880;
	v43 =	vadd.s32 v18, v41;
	v38 =	vor.u32 v23, v63;
	v44 =	vmov s29;
	v37 =	vld [tilespmem:s23+$0xFFFFFFE0];
	[tilespmem:v49+s18+$0x0] =	vst.idx.msk $0xffff, v62  }
.LBB2_11:
0x132: {  	p1 =	slt.u32 s28, $0xFC;
	v44 =	vmul.u32 $0x2200, v44;
	v42 =	vor.u32 v12, v42;
	v45 =	vld [tilespmem:s23+$0x20];
	v41 =	vadd.s32 v16, v41;
	[tilespmem:v36+s18+$0x0] =	vst.idx.msk $0xffff, v34  }
0x133: {  	v34 =	vpsel p0, v5, v8;
	v36 =	vor.u32 v14, v43;
	v43 =	vmovc v14;
	v41 =	vor.u32 v15, v41  }
0x134: {  	s30 =	sadd.s32 $0x3, s26;
	v30 =	vadd.f32 v32, v30;
	s26 =	smov.u32 s28;
	v44 =	vbroadcast v44, $0x0;
	v40 =	vadd.f32 v40, v34;
	[tilespmem:v35+s18+$0x0] =	vst.idx.msk $0xffff, v33  }
0x135: {  	s23 =	sadd.s32 $0x100, s23;
	v14 =	vmovc v29;
	v32 =	vmov s30;
	v33 =	vadd.f32 v39, v34;
	[tilespmem:v26+s18+$0x0] =	vst.idx.msk $0xffff, v28;
	v26 =	vor.u32 v17, v31  }
0x136: {  	v31 =	vand.u32 $0x78, v32;
	v17 =	vadd.s32 v0, v44;
	v29 =	vld [tilespmem:s23+$0x40];
	v35 =	vadd.f32 v37, v34;
	[tilespmem:v38+s18+$0x0] =	vst.idx.msk $0xffff, v40  }
0x137: {  	v32 =	vand.u32 $0x7, v32;
	v47 =	vadd.s32 v31, v17;
	[tilespmem:v42+s18+$0x0] =	vst.idx.msk $0xffff, v33;
	v33 =	vadd.s32 v3, v21;
	v37 =	vld [tilespmem:s25+$0x70]  }
0x138: {  	v39 =	vadd.s32 v19, v17;
	v21 =	vmovc v44;
	v38 =	vld [tilespmem:s23+$0xFFFFFF80];
	v40 =	vor.u32 v32, v47;
	v49 =	vadd.s32 v25, v33  }
0x139: {  	p2 =	seq.s32 s29, $0x0;
	v28 =	vmovc v30;
	v44 =	vadd.s32 v27, v17;
	v17 =	vadd.s32 v24, v17;
	v42 =	vld [tilespmem:s23+$0xFFFFFFC0];
	v46 =	vor.u32 v23, v49  }
0x13a: {  	v47 =	vpsel p2, v10, v11;
	v39 =	vor.u32 v20, v39;
	v44 =	vor.u32 v14, v44;
	v25 =	vmovc v31;
	v48 =	vld [tilespmem:s23+$0x0]  }
0x13b: {  	v30 =	vpsel p0, v4, v6;
	p0 =	por p2, p2;
	v31 =	vor.u32 v22, v17;
	v23 =	vmovc v32;
	v29 =	vadd.f32 v29, v47;
	v49 =	vld [tilespmem:s25+$0xFFFFFFB0]  }
0x13c: {  	v32 =	vadd.f32 v45, v34;
	v17 =	vmov v15;
	[tilespmem:v36+s18+$0x0] =	vst.idx.msk $0xffff, v35;
	v34 =	vadd.f32 v37, v30  }
0x13d: {  	v15 =	vmov s28;
	v36 =	vadd.s32 v13, v33;
	v13 =	vmovc v19;
	v35 =	vadd.f32 v38, v47;
	[tilespmem:v40+s18+$0x0] =	vst.idx.msk $0xffff, v29;
	v37 =	vld [tilespmem:s25+$0xFFFFFFF0]  }
0x13e: {  	v45 =	vand.u32 $0x4, v15;
	v38 =	vadd.s32 v18, v33;
	v29 =	vadd.f32 v42, v47;
	[tilespmem:v46+s18+$0x0] =	vst.idx.msk $0xffff, v34  }
0x13f: {  	s29 =	sadd.s32 $0x1, s28;
	v19 =	vand.u32 $0x78, v15;
	v34 =	vadd.s32 v1, v21;
	[tilespmem:v39+s18+$0x0] =	vst.idx.msk $0xffff, v35;
	v48 =	vadd.f32 v48, v47;
	v35 =	vld [tilespmem:s23+$0x50]  }
0x140: {  	v15 =	vmovc v22;
	v39 =	vmov s29;
	s29 =	sadd.s32 $0x2, s28;
	v42 =	vadd.s32 v13, v34;
	v40 =	vld [tilespmem:s23+$0xFFFFFF90];
	[tilespmem:v44+s18+$0x0] =	vst.idx.msk $0xffff, v29;
	v29 =	vadd.s32 v25, v34  }
0x141: {  	v18 =	vmovc v27;
	v22 =	vadd.s32 v27, v34;
	v44 =	vmov s29;
	v46 =	vld [tilespmem:s23+$0xFFFFFFD0];
	[tilespmem:v31+s18+$0x0] =	vst.idx.msk $0xffff, v48;
	v47 =	vor.u32 v23, v29  }
0x142: {  	v42 =	vor.u32 v20, v42;
	v48 =	vor.u32 v14, v22;
	v22 =	vadd.s32 v24, v34;
	v50 =	vld [tilespmem:s23+$0x10]  }
0x143: {  	v51 =	vpsel p0, v7, v9;
	v29 =	vand.u32 $0x5, v39;
	v52 =	vor.u32 v15, v22;
	[tilespmem:v41+s18+$0x0] =	vst.idx.msk $0xffff, v32  }
0x144: {  	v34 =	vadd.f32 v49, v30;
	v31 =	vadd.s32 v16, v33;
	v16 =	vmovc v24;
	v27 =	vadd.f32 v35, v51;
	v32 =	vld [tilespmem:s25+$0x30];
	s25 =	smov.u32 s23  }
.Ltmp7:
0x145: {  	v36 =	vor.u32 v12, v36;
	v12 =	vmovc v20;
	v33 =	vadd.f32 v37, v30;
	v24 =	vadd.f32 v40, v51;
	(pc) =	sbr.rel @p1 .LBB2_11-.Ltmp7, $4  }
0x146: {  	v22 =	vand.u32 $0x6, v44;
	v35 =	vor.u32 v43, v38;
	v49 =	vadd.f32 v46, v51;
	[tilespmem:v47+s18+$0x0] =	vst.idx.msk $0xffff, v27  }
0x147: {  	v41 =	vadd.s32 v2, v21;
	v27 =	vand.u32 $0x78, v39;
	[tilespmem:v42+s18+$0x0] =	vst.idx.msk $0xffff, v24;
	v38 =	vadd.f32 v50, v51;
	v40 =	vld [tilespmem:s23+$0x60]  }
0x148: {  	s29 =	sshrl.u32 s28, $0x7;
	v46 =	vadd.s32 v25, v41;
	v24 =	vand.u32 $0x78, v44;
	v42 =	vadd.s32 v13, v41;
	v39 =	vld [tilespmem:s23+$0xFFFFFFA0];
	[tilespmem:v48+s18+$0x0] =	vst.idx.msk $0xffff, v49  }
0x149: {  	s28 =	sadd.s32 $0x4, s28;
	v20 =	vmovc v45;
	v43 =	vadd.s32 v18, v41;
	v44 =	vmov s29;
	v37 =	vld [tilespmem:s23+$0xFFFFFFE0];
	[tilespmem:v52+s18+$0x0] =	vst.idx.msk $0xffff, v38;
	v38 =	vor.u32 v23, v46  }
0x14a: {  	v44 =	vmul.u32 $0x2200, v44  }
0x14b: {  	v42 =	vor.u32 v12, v42;
	v41 =	vadd.s32 v16, v41;
	v45 =	vpsel p0, v5, v8  }
0x14c: {  	v43 =	vor.u32 v14, v43;
	v30 =	vadd.f32 v32, v30;
	v17 =	vor.u32 v17, v31  }
0x14d: {  	s26 =	sadd.s32 $0x3, s26;
	p1 =	seq.s32 s29, $0x0;
	v21 =	vadd.s32 v3, v21;
	v41 =	vor.u32 v15, v41;
	v44 =	vbroadcast v44, $0x0  }
0x14e: {  	[tilespmem:v36+s18+$0x0] =	vst.idx.msk $0xffff, v34;
	s31 =	sadd.s32 $0x100, s23;
	v47 =	vmov s26;
	v10 =	vpsel p1, v10, v11;
	v25 =	vadd.s32 v25, v21  }
0x14f: {  	[tilespmem:v35+s18+$0x0] =	vst.idx.msk $0xffff, v33;
	v50 =	vld [tilespmem:s31+$0x40];
	v48 =	vadd.f32 v39, v45;
	v39 =	vand.u32 $0x78, v47;
	v49 =	vadd.s32 v0, v44  }
0x150: {  	[tilespmem:v26+s18+$0x0] =	vst.idx.msk $0xffff, v28;
	v52 =	vld [tilespmem:s31+$0xFFFFFF80];
	v13 =	vadd.s32 v13, v21;
	v26 =	vand.u32 $0x7, v47;
	v51 =	vadd.s32 v39, v49  }
0x151: {  	v55 =	vld [tilespmem:s31+$0xFFFFFFC0];
	v46 =	vadd.f32 v40, v45;
	v54 =	vadd.s32 v19, v49;
	v28 =	vor.u32 v26, v51  }
0x152: {  	v58 =	vld [tilespmem:s31+$0x0];
	v53 =	vadd.f32 v37, v45;
	v56 =	vadd.s32 v27, v49;
	v37 =	vor.u32 v20, v54  }
0x153: {  	[tilespmem:v38+s18+$0x0] =	vst.idx.msk $0xffff, v46;
	v59 =	vadd.s32 v24, v49;
	v57 =	vor.u32 v29, v56  }
0x154: {  	[tilespmem:v42+s18+$0x0] =	vst.idx.msk $0xffff, v48;
	v60 =	vadd.f32 v50, v10;
	v34 =	vor.u32 v22, v59  }
0x155: {  	p6 =	por p1, p1;
	v23 =	vor.u32 v23, v25;
	[tilespmem:v17+s18+$0x0] =	vst.idx.msk $0xffff, v30;
	v31 =	vadd.f32 v52, v10  }
0x156: {  	v61 =	vld [tilespmem:s23+$0x20];
	v7 =	vpsel p6, v7, v9;
	v62 =	vadd.f32 v55, v10;
	[tilespmem:v28+s18+$0x0] =	vst.idx.msk $0xffff, v60  }
0x157: {  	v63 =	vadd.s32 v1, v44;
	v10 =	vadd.f32 v58, v10;
	[tilespmem:v37+s18+$0x0] =	vst.idx.msk $0xffff, v31;
	v35 =	vld [tilespmem:s31+$0x50]  }
0x158: {  	v5 =	vpsel p6, v5, v8;
	v42 =	vadd.s32 v39, v63;
	[tilespmem:v57+s18+$0x0] =	vst.idx.msk $0xffff, v62;
	v40 =	vld [tilespmem:s31+$0xFFFFFF90]  }
0x159: {  	v46 =	vadd.s32 v19, v63;
	v11 =	vor.u32 v26, v42;
	[tilespmem:v34+s18+$0x0] =	vst.idx.msk $0xffff, v10;
	v47 =	vld [tilespmem:s31+$0xFFFFFFD0]  }
0x15a: {  	v48 =	vadd.s32 v27, v63;
	[tilespmem:v43+s18+$0x0] =	vst.idx.msk $0xffff, v53;
	v49 =	vor.u32 v20, v46;
	v52 =	vld [tilespmem:s31+$0x10]  }
0x15b: {  	v38 =	vld [tilespmem:s25+$0x70];
	v51 =	vor.u32 v29, v48;
	v53 =	vadd.f32 v61, v45;
	v31 =	vadd.s32 v24, v63  }
0x15c: {  	v58 =	vadd.s32 v2, v44;
	v54 =	vor.u32 v22, v31;
	v35 =	vadd.f32 v35, v7  }
0x15d: {  	v43 =	vadd.s32 v16, v21;
	[tilespmem:v41+s18+$0x0] =	vst.idx.msk $0xffff, v53;
	v55 =	vadd.f32 v40, v7  }
0x15e: {  	v56 =	vld [tilespmem:s25+$0xFFFFFFB0];
	v48 =	vadd.s32 v3, v44;
	v32 =	vadd.f32 v47, v7;
	[tilespmem:v11+s18+$0x0] =	vst.idx.msk $0xffff, v35  }
0x15f: {  	v28 =	vpsel p0, v4, v6;
	v7 =	vadd.f32 v52, v7;
	[tilespmem:v49+s18+$0x0] =	vst.idx.msk $0xffff, v55;
	v59 =	vld [tilespmem:s31+$0x60]  }
0x160: {  	v60 =	vadd.s32 v39, v58;
	v50 =	vadd.f32 v38, v28;
	[tilespmem:v51+s18+$0x0] =	vst.idx.msk $0xffff, v32;
	v25 =	vld [tilespmem:s31+$0xFFFFFFA0]  }
0x161: {  	v61 =	vadd.s32 v19, v58;
	v32 =	vor.u32 v26, v60;
	[tilespmem:v54+s18+$0x0] =	vst.idx.msk $0xffff, v7;
	v62 =	vld [tilespmem:s31+$0xFFFFFFE0]  }
0x162: {  	v36 =	vadd.s32 v27, v58;
	v37 =	vor.u32 v20, v61;
	[tilespmem:v23+s18+$0x0] =	vst.idx.msk $0xffff, v50;
	v23 =	vld [tilespmem:s31+$0x20]  }
0x163: {  	v41 =	vor.u32 v12, v13;
	v10 =	vadd.s32 v24, v58;
	v40 =	vor.u32 v29, v36  }
0x164: {  	v53 =	vadd.s32 v19, v48;
	v10 =	vor.u32 v22, v10;
	v42 =	vadd.f32 v59, v5  }
0x165: {  	v57 =	vadd.s32 v18, v21;
	v63 =	vld [tilespmem:s25+$0xFFFFFFF0];
	v4 =	vpsel p6, v4, v6;
	v45 =	vadd.f32 v25, v5  }
0x166: {  	v38 =	vadd.f32 v56, v28;
	v55 =	vld [tilespmem:s25+$0x30];
	v46 =	vadd.f32 v62, v5;
	[tilespmem:v32+s18+$0x0] =	vst.idx.msk $0xffff, v42  }
0x167: {  	v11 =	vor.u32 v14, v57;
	v5 =	vadd.f32 v23, v5;
	[tilespmem:v37+s18+$0x0] =	vst.idx.msk $0xffff, v45;
	v49 =	vld [tilespmem:s31+$0x70]  }
0x168: {  	v50 =	vadd.s32 v39, v48;
	v59 =	vor.u32 v15, v43;
	[tilespmem:v40+s18+$0x0] =	vst.idx.msk $0xffff, v46;
	v51 =	vld [tilespmem:s31+$0xFFFFFFB0]  }
0x169: {  	v56 =	vadd.s32 v27, v48;
	v52 =	vor.u32 v26, v50;
	[tilespmem:v10+s18+$0x0] =	vst.idx.msk $0xffff, v5;
	v54 =	vld [tilespmem:s31+$0xFFFFFFF0]  }
0x16a: {  	v58 =	vor.u32 v29, v56;
	v47 =	vadd.f32 v63, v28;
	v5 =	vor.u32 v20, v53;
	v57 =	vld [tilespmem:s31+$0x30]  }
0x16b: {  	[tilespmem:v41+s18+$0x0] =	vst.idx.msk $0xffff, v38;
	v7 =	vadd.s32 v24, v48;
	v63 =	vadd.f32 v55, v28  }
0x16c: {  	v7 =	vor.u32 v22, v7;
	[tilespmem:v11+s18+$0x0] =	vst.idx.msk $0xffff, v47;
	v60 =	vadd.f32 v49, v4  }
0x16d: {  	[tilespmem:v59+s18+$0x0] =	vst.idx.msk $0xffff, v63;
	v61 =	vadd.f32 v51, v4  }
0x16e: {  	s24 =	sshll.u32 s24, $0x12;
	v62 =	vadd.f32 v54, v4;
	[tilespmem:v52+s18+$0x0] =	vst.idx.msk $0xffff, v60  }
0x16f: {  	s23 =	sor.u32 s7, s24;
	v4 =	vadd.f32 v57, v4;
	[tilespmem:v5+s18+$0x0] =	vst.idx.msk $0xffff, v61  }
0x170: {  	s23 =	sshrl.u32 s23, $0x3;
	[tilespmem:v58+s18+$0x0] =	vst.idx.msk $0xffff, v62  }
0x171: {  	s24 =	sadd.s32 s2, s23;
	s25 =	simm.s32 $0x15A00;
	[tilespmem:v7+s18+$0x0] =	vst.idx.msk $0xffff, v4  }
0x172: {  	[hbm4b:s24+s3] =	stream.linear.scatter [tilespmem:s25], [sflag:$0x4], $0x80, $0x38;
	[tilespmem:$0x19E00] =	vst v63  }
0x173: {  	s26 =	simm.s32 $0x15A88;
	s29 =	sadd.s32 $0x10, s24  }
0x174: {  	[hbm4b:s29+s3] =	stream.linear.scatter [tilespmem:s26], [sflag:$0x4], $0x80, $0x38;
	[tilespmem:$0x19E00] =	vst v63  }
0x175: {  	s30 =	simm.s32 $0x15B10;
	s23 =	simm.s32 $0x440;
	s31 =	sadd.s32 $0x20, s24  }
0x176: {  	[hbm4b:s31+s3] =	stream.linear.scatter [tilespmem:s30], [sflag:$0x4], $0x80, $0x38;
	[tilespmem:$0x19E00] =	vst v63  }
0x177: {  	s28 =	sadd.s32 $0x70, s24;
	s26 =	simm.s32 $0x15B98;
	s29 =	sadd.s32 $0x30, s24  }
0x178: {  	[hbm4b:s29+s3] =	stream.linear.scatter [tilespmem:s26], [sflag:$0x4], $0x80, $0x38;
	[tilespmem:$0x19E00] =	vst v63  }
0x179: {  	s25 =	simm.s32 $0x2200;
	s30 =	simm.s32 $0x15C20;
	s31 =	sadd.s32 $0x40, s24  }
0x17a: {  	[hbm4b:s31+s3] =	stream.linear.scatter [tilespmem:s30], [sflag:$0x4], $0x80, $0x38;
	[tilespmem:$0x19E00] =	vst v63  }
0x17b: {  	s26 =	simm.s32 $0x15CA8;
	s29 =	sadd.s32 $0x50, s24;
	s30 =	simm.s32 $0x15D30  }
0x17c: {  	[hbm4b:s29+s3] =	stream.linear.scatter [tilespmem:s26], [sflag:$0x4], $0x80, $0x38;
	[tilespmem:$0x19E00] =	vst v63  }
0x17d: {  	s31 =	sadd.s32 $0x60, s24;
	s24 =	sadd.s32 $0x1000, s24;
	s26 =	simm.s32 $0x15DB8  }
0x17e: {  	[hbm4b:s31+s3] =	stream.linear.scatter [tilespmem:s30], [sflag:$0x4], $0x80, $0x38;
	[tilespmem:$0x19E00] =	vst v63  }
.LBB2_13:
0x17f: {  	[hbm4b:s28+s3] =	stream.linear.scatter [tilespmem:s26], [sflag:$0x4], $0x80, $0x38;
	[tilespmem:$0x19E00] =	vst v63  }
0x180: {  	s26 =	smov.u32 s23;
	s23 =	smov.u32 s25  }
0x181: {  	s29 =	sadd.s32 $0x1100, s25;
	s23 =	sshra.s32 s23, $0x2;
	s28 =	sadd.s32 $0x15A00, s26  }
0x182: {  	[hbm4b:s24+s3] =	stream.linear.scatter [tilespmem:s28], [sflag:$0x4], $0x80, $0x38;
	[tilespmem:$0x19E00] =	vst v63  }
0x183: {  	p0 =	sne.s32 s25, $0xFF00;
	s25 =	sadd.s32 $0x15A88, s26;
	s28 =	sadd.s32 $0x10, s24  }
0x184: {  	[hbm4b:s28+s3] =	stream.linear.scatter [tilespmem:s25], [sflag:$0x4], $0x80, $0x38;
	[tilespmem:$0x19E00] =	vst v63  }
0x185: {  	s25 =	sadd.s32 $0x15B10, s26;
	s28 =	sadd.s32 $0x20, s24  }
0x186: {  	[hbm4b:s28+s3] =	stream.linear.scatter [tilespmem:s25], [sflag:$0x4], $0x80, $0x38;
	[tilespmem:$0x19E00] =	vst v63  }
0x187: {  	s25 =	sadd.s32 $0x15B98, s26;
	s28 =	sadd.s32 $0x30, s24  }
0x188: {  	[hbm4b:s28+s3] =	stream.linear.scatter [tilespmem:s25], [sflag:$0x4], $0x80, $0x38;
	[tilespmem:$0x19E00] =	vst v63  }
0x189: {  	s25 =	sadd.s32 $0x15C20, s26;
	s28 =	sadd.s32 $0x40, s24  }
0x18a: {  	[hbm4b:s28+s3] =	stream.linear.scatter [tilespmem:s25], [sflag:$0x4], $0x80, $0x38;
	[tilespmem:$0x19E00] =	vst v63  }
.Ltmp8:
0x18b: {  	s25 =	sadd.s32 $0x15CA8, s26;
	s28 =	sadd.s32 $0x50, s24;
	(pc) =	sbr.rel @p0 .LBB2_13-.Ltmp8, $4  }
0x18c: {  	[hbm4b:s28+s3] =	stream.linear.scatter [tilespmem:s25], [sflag:$0x4], $0x80, $0x38;
	[tilespmem:$0x19E00] =	vst v63  }
0x18d: {  	s25 =	sadd.s32 $0x15D30, s26;
	s28 =	sadd.s32 $0x60, s24;
	s26 =	sadd.s32 $0x15DB8, s26  }
0x18e: {  	[hbm4b:s28+s3] =	stream.linear.scatter [tilespmem:s25], [sflag:$0x4], $0x80, $0x38;
	[tilespmem:$0x19E00] =	vst v63  }
0x18f: {  	s28 =	sadd.s32 $0x70, s24;
	s24 =	sadd.s32 $0x1000, s24;
	s25 =	smov.u32 s29  }
0x190: {  	[hbm4b:s28+s3] =	stream.linear.scatter [tilespmem:s26], [sflag:$0x4], $0x80, $0x38;
	[tilespmem:$0x19E00] =	vst v63  }
0x191: {  	s25 =	sadd.s32 $0x15A00, s23  }
0x192: {  	[hbm4b:s24+s3] =	stream.linear.scatter [tilespmem:s25], [sflag:$0x4], $0x80, $0x38;
	[tilespmem:$0x19E00] =	vst v63  }
0x193: {  	s30 =	sadd.s32 $0x15A88, s23;
	s31 =	sadd.s32 $0x10, s24  }
0x194: {  	[hbm4b:s31+s3] =	stream.linear.scatter [tilespmem:s30], [sflag:$0x4], $0x80, $0x38;
	[tilespmem:$0x19E00] =	vst v63  }
0x195: {  	s28 =	sadd.s32 $0x15B10, s23;
	s29 =	sadd.s32 $0x20, s24  }
0x196: {  	[hbm4b:s29+s3] =	stream.linear.scatter [tilespmem:s28], [sflag:$0x4], $0x80, $0x38;
	[tilespmem:$0x19E00] =	vst v63  }
0x197: {  	s30 =	sadd.s32 $0x15B98, s23;
	s31 =	sadd.s32 $0x30, s24  }
0x198: {  	[hbm4b:s31+s3] =	stream.linear.scatter [tilespmem:s30], [sflag:$0x4], $0x80, $0x38;
	[tilespmem:$0x19E00] =	vst v63  }
0x199: {  	s28 =	sadd.s32 $0x15C20, s23;
	s29 =	sadd.s32 $0x40, s24  }
0x19a: {  	[hbm4b:s29+s3] =	stream.linear.scatter [tilespmem:s28], [sflag:$0x4], $0x80, $0x38;
	[tilespmem:$0x19E00] =	vst v63  }
0x19b: {  	p0 =	seq.s32 s21, $0x31;
	s30 =	sadd.s32 $0x15CA8, s23;
	s31 =	sadd.s32 $0x50, s24  }
0x19c: {  	[hbm4b:s31+s3] =	stream.linear.scatter [tilespmem:s30], [sflag:$0x4], $0x80, $0x38;
	[tilespmem:$0x19E00] =	vst v63  }
.Ltmp9:
0x19d: {  	_ = 	snop;
	(pc) =	sbr.rel @p0 .LBB2_16-.Ltmp9, $4  }
0x19e: {  	s28 =	sadd.s32 $0x15D30, s23;
	s29 =	sadd.s32 $0x60, s24  }
0x19f: {  	[hbm4b:s29+s3] =	stream.linear.scatter [tilespmem:s28], [sflag:$0x4], $0x80, $0x38;
	[tilespmem:$0x19E00] =	vst v63  }
0x1a0: {  	s30 =	sadd.s32 $0x15DB8, s23;
	s31 =	sadd.s32 $0x70, s24  }
0x1a1: {  	[hbm4b:s31+s3] =	stream.linear.scatter [tilespmem:s30], [sflag:$0x4], $0x80, $0x38;
	[tilespmem:$0x19E00] =	vst v63  }
.Ltmp10:
0x1a2: {  	(pc) =	sbr.rel .LBB2_2-.Ltmp10, $4  }
0x1a3: {  	_ = 	snop  }
0x1a4: {  	s22 =	sshrl.u32 s22, $0x2  }
0x1a5: {  	s21 =	sadd.s32 $0x1, s21;
	s22 =	sadd.s32 $0x300, s22  }
0x1a6: {  	[tilespmem:s13], [sflag:$0x2] =	stream.indirect.gather [hbm4b:s4+s11], $0x40, s22, s11, $0xb8;
	[tilespmem:$0x19E00] =	vst v63  }
.LBB2_17:
0x1a7: {  	_ =	sfence.sel $0x180000  }
0x1a8: {  	[bflag:$0x0] =	sbarrier.arrive $0xFFFF  }
0x1a9: {  	p0 =	sne.s32 s0, $0x0;
	_ =	strace $0x90000047  }
0x1aa: {  	s0 =	sadd.s32 @!p0 $0x100000, s1;
	[bflag:$0x2] =	sbarrier.arrive $0xFFFF  }
0x1ab: {  	[sflag:s0] =	ssyncadd.tile.s32 @!p0 $0x1;
	_ =	shalt  }
.Lfunc_end2:
_tile_overlayer_lowered:
.L_overlay_start_2:
0x1ac: {  	(tag) =	ssettag $0x2  }
0x1ad: {  	s0 =	rddreg [dreg:$0x0];
	s2 =	stileid.u32  }
0x1ae: {  	s1 =	rddreg [dreg:$0x1];
	p0 =	sne.s32 s2, $0x0  }
0x1af: {  	s3 =	rddreg [dreg:$0x2];
	[bflag:$0x3] =	sbarrier.arrive $0xFFFF;
	s2 =	simm.s32 @!p0 $0x1C05  }
0x1b0: {  	[timem:s3], [sflag:s2] =	dma.local @!p0 [hbm:s0], s1  }
0x1b1: {  	s0 =	simm.s32 @!p0 $0x5  }
0x1b2: {  	_ =	swait.ge @!p0 [sflag:s0], s1  }
0x1b3: {  	s1 =	ssub.s32 @!p0 $0x0, s1;
	[sflag:s0] =	ssyncset.done @!p0 $0x0  }
0x1b4: {  	[sflag:s0] =	ssyncadd.s32 @!p0 s1  }
0x1b5: {  	[bflag:$0x3] =	sbarrier.arrive $0xFFFF  }
0x1b6: {  	_ =	shalt  }

</sc_bundles>
